<compile_context>
chip_gen: v7x
topology: tpu7x:2x2x1
jax: 0.10.2.dev20260603
libtpu: 0.0.44.dev20260713+nightly
codegen_flags: <defaults>
</compile_context>

<pallas_src>
import functools

import jax
import jax.numpy as jnp
from jax import lax
from jax.experimental import pallas as pl
from jax.experimental.pallas import tpu as pltpu
from jax.experimental.pallas import tpu_sc as plsc

D_MODEL = 2048
NC = 2
NS = 16
NW = NC * NS
B = 4 * 8192
B_PER_W = B // NW
CHUNK = 8
NCH = B_PER_W // CHUNK
NBUF = 7
MAIN = ((NCH - NBUF - 1) // NBUF) * NBUF

_mesh = plsc.VectorSubcoreMesh(
    core_axis_name="c", subcore_axis_name="s", num_cores=NC, num_subcores=NS
)


@functools.partial(
    pl.kernel,
    mesh=_mesh,
    out_type=jax.ShapeDtypeStruct((B, D_MODEL), jnp.float32),
    scratch_types=[
        pltpu.VMEM((B_PER_W,), jnp.int32),
        [pltpu.VMEM((CHUNK, D_MODEL), jnp.float32) for _ in range(NBUF)],
        [pltpu.SemaphoreType.DMA for _ in range(NBUF)],
        [pltpu.SemaphoreType.DMA for _ in range(NBUF)],
    ],
)
def _gather_rows(table_hbm, idx_hbm, out_hbm, idx_v, rows, gsems, wsems):
    wid = lax.axis_index("s") * NC + lax.axis_index("c")
    base = wid * B_PER_W
    pltpu.sync_copy(idx_hbm.at[pl.ds(base, B_PER_W)], idx_v)

    def gather_start(c, b):
        pltpu.async_copy(
            table_hbm.at[idx_v.at[pl.ds(c * CHUNK, CHUNK)]], rows[b], gsems[b]
        )

    def gather_wait(b):
        pltpu.make_async_copy(
            table_hbm.at[pl.ds(0, CHUNK)], rows[b], gsems[b]
        ).wait()

    def write_start(c, b):
        pltpu.async_copy(
            rows[b], out_hbm.at[pl.ds(base + c * CHUNK, CHUNK)], wsems[b]
        )

    def write_wait(b):
        pltpu.make_async_copy(
            out_hbm.at[pl.ds(0, CHUNK)], rows[b], wsems[b]
        ).wait()

    for j in range(NBUF - 1):
        gather_start(j, j)
    gather_wait(0)
    write_start(0, 0)
    gather_start(NBUF - 1, NBUF - 1)

    @pl.loop(1, 1 + MAIN, step=NBUF)
    def _(c):
        for u in range(NBUF):
            b = (1 + u) % NBUF
            gather_wait(b)
            write_start(c + u, b)
            write_wait(u % NBUF)
            gather_start(c + u + NBUF - 1, u % NBUF)

    for i in range(1 + MAIN, NCH):
        b = i % NBUF
        gather_wait(b)
        write_start(i, b)
        if i + NBUF - 1 < NCH:
            write_wait((i - 1) % NBUF)
            gather_start(i + NBUF - 1, (i - 1) % NBUF)

    for i in range(NCH - NBUF, NCH):
        write_wait(i % NBUF)


def kernel(positions, table):
    idx = positions.reshape(-1).astype(jnp.int32)
    out = _gather_rows(table, idx)
    return out.reshape(*positions.shape, D_MODEL)

# --- scband reference (transcript-rebuilt; emitter-appended) ---
"""Pipeline reference for scband-learned-positional-encoding-79946521248108 (READ-ONLY COPY).

The authoritative reference and input builder live on the scoring server;
editing this copy changes nothing except your own understanding.
"""

import jax, jax.numpy as jnp
import numpy as np

MAX_POSITION = 8192
D_MODEL = 2048

def setup_inputs(seed: int = 0) -> dict:
    key = jax.random.key(seed)
    k_pos, k_tab = jax.random.split(key)
    positions = jax.random.randint(k_pos, (4, 8192), 0, MAX_POSITION, dtype=jnp.int64 if jax.config.jax_enable_x64 else jnp.int32)
    table = jax.random.normal(k_tab, (MAX_POSITION, D_MODEL), dtype=jnp.float32) * 0.02
    return {"positions": positions, "table": table}

def reference(positions, table):
    # nn.Embedding lookup: position_embeddings(positions)
    return jnp.take(table, positions, axis=0)

if __name__ == "__main__":
    import jax
    _d = setup_inputs()
    print(jax.jit(kernel)(*tuple(_d.values())))

</pallas_src>

<mosaic_0001>
#map = affine_map<(d0, d1) -> (0, 0)>
#map1 = affine_map<(d0, d1) -> (0)>
module attributes {stable_mosaic.version = 14 : i64} {
  func.func @_gather_rows(%arg0: i32, %arg1: i32, %arg2: memref<8192x2048xf32, #tpu.memory_space<hbm>>, %arg3: memref<32768xi32, #tpu.memory_space<hbm>>, %arg4: memref<32768x2048xf32, #tpu.memory_space<hbm>>, %arg5: memref<1024xi32, #tpu.memory_space<vmem>>, %arg6: memref<8x2048xf32, #tpu.memory_space<vmem>>, %arg7: memref<8x2048xf32, #tpu.memory_space<vmem>>, %arg8: memref<8x2048xf32, #tpu.memory_space<vmem>>, %arg9: memref<8x2048xf32, #tpu.memory_space<vmem>>, %arg10: memref<8x2048xf32, #tpu.memory_space<vmem>>, %arg11: memref<8x2048xf32, #tpu.memory_space<vmem>>, %arg12: memref<8x2048xf32, #tpu.memory_space<vmem>>, %arg13: memref<!tpu.dma_semaphore, #tpu.memory_space<semaphore_mem>>, %arg14: memref<!tpu.dma_semaphore, #tpu.memory_space<semaphore_mem>>, %arg15: memref<!tpu.dma_semaphore, #tpu.memory_space<semaphore_mem>>, %arg16: memref<!tpu.dma_semaphore, #tpu.memory_space<semaphore_mem>>, %arg17: memref<!tpu.dma_semaphore, #tpu.memory_space<semaphore_mem>>, %arg18: memref<!tpu.dma_semaphore, #tpu.memory_space<semaphore_mem>>, %arg19: memref<!tpu.dma_semaphore, #tpu.memory_space<semaphore_mem>>, %arg20: memref<!tpu.dma_semaphore, #tpu.memory_space<semaphore_mem>>, %arg21: memref<!tpu.dma_semaphore, #tpu.memory_space<semaphore_mem>>, %arg22: memref<!tpu.dma_semaphore, #tpu.memory_space<semaphore_mem>>, %arg23: memref<!tpu.dma_semaphore, #tpu.memory_space<semaphore_mem>>, %arg24: memref<!tpu.dma_semaphore, #tpu.memory_space<semaphore_mem>>, %arg25: memref<!tpu.dma_semaphore, #tpu.memory_space<semaphore_mem>>, %arg26: memref<!tpu.dma_semaphore, #tpu.memory_space<semaphore_mem>>) attributes {dimension_semantics = [#tpu.dimension_semantics<core_parallel>, #tpu.dimension_semantics<subcore_parallel>], iteration_bounds = array<i64: 2, 16>, scalar_prefetch = 0 : i64, scratch_operands = 22 : i64, tpu.core_type = #tpu.core_type<sc_vector_subcore>, window_params = [{transform_indices = #map}, {transform_indices = #map1}, {transform_indices = #map}]} {
    %mul3A = arith.constant 2 : i32
    %mul3A_0 = arith.muli %arg1, %mul3A : i32
    %add3A = arith.addi %mul3A_0, %arg0 : i32
    %mul3A_1 = arith.constant 1024 : i32
    %mul3A_2 = arith.muli %add3A, %mul3A_1 : i32
    "tpu.region"() ({
      %run_scoped3A = tpu.sem_alloc : memref<!tpu.dma_semaphore, #tpu.memory_space<semaphore_mem>>
      %dma_start3A_212 = tpu.memref_slice %arg3[%mul3A_2] : memref<32768xi32, #tpu.memory_space<hbm>> -> memref<1024xi32, #tpu.memory_space<hbm>>
      %dma_start3A_213 = tpu.memref_slice %arg3[%mul3A_2] : memref<32768xi32, #tpu.memory_space<hbm>> -> memref<1024xi32, #tpu.memory_space<hbm>>
      tpu.enqueue_dma source(%dma_start3A_213 : memref<1024xi32, #tpu.memory_space<hbm>>) target(%arg5 : memref<1024xi32, #tpu.memory_space<vmem>>) target_semaphore(%run_scoped3A : memref<!tpu.dma_semaphore, #tpu.memory_space<semaphore_mem>>)
      %dma_wait3A_214 = tpu.memref_slice %arg3[%mul3A_2] : memref<32768xi32, #tpu.memory_space<hbm>> -> memref<1024xi32, #tpu.memory_space<hbm>>
      %dma_wait3A_215 = tpu.memref_slice %arg3[%mul3A_2] : memref<32768xi32, #tpu.memory_space<hbm>> -> memref<1024xi32, #tpu.memory_space<hbm>>
      tpu.wait_dma2 semaphore(%run_scoped3A : memref<!tpu.dma_semaphore, #tpu.memory_space<semaphore_mem>>) src(%dma_wait3A_215 : memref<1024xi32, #tpu.memory_space<hbm>>) dst(%arg5 : memref<1024xi32, #tpu.memory_space<vmem>>)
      tpu.yield
    }) : () -> ()
    %dma_start3A = arith.constant 0 : i32
    %dma_start3A_3 = tpu.memref_slice %arg5[%dma_start3A] : memref<1024xi32, #tpu.memory_space<vmem>> -> memref<8xi32, #tpu.memory_space<vmem>>
    %dma_start3A_4 = arith.constant 0 : i32
    %dma_start3A_5 = arith.constant 0 : i32
    %dma_start3A_6 = tpu.memref_slice %arg2[%dma_start3A_4, %dma_start3A_5] : memref<8192x2048xf32, #tpu.memory_space<hbm>> -> memref<8192x2048xf32, #tpu.memory_space<hbm>>
    tpu.enqueue_indirect_dma source(%dma_start3A_6 : memref<8192x2048xf32, #tpu.memory_space<hbm>>) target(%arg6 : memref<8x2048xf32, #tpu.memory_space<vmem>>) offsets(%dma_start3A_3 : memref<8xi32, #tpu.memory_space<vmem>>) semaphore(%arg13 : memref<!tpu.dma_semaphore, #tpu.memory_space<semaphore_mem>>)
    %dma_start3A_7 = arith.constant 8 : i32
    %dma_start3A_8 = tpu.memref_slice %arg5[%dma_start3A_7] : memref<1024xi32, #tpu.memory_space<vmem>> -> memref<8xi32, #tpu.memory_space<vmem>>
    %dma_start3A_9 = arith.constant 0 : i32
    %dma_start3A_10 = arith.constant 0 : i32
    %dma_start3A_11 = tpu.memref_slice %arg2[%dma_start3A_9, %dma_start3A_10] : memref<8192x2048xf32, #tpu.memory_space<hbm>> -> memref<8192x2048xf32, #tpu.memory_space<hbm>>
    tpu.enqueue_indirect_dma source(%dma_start3A_11 : memref<8192x2048xf32, #tpu.memory_space<hbm>>) target(%arg7 : memref<8x2048xf32, #tpu.memory_space<vmem>>) offsets(%dma_start3A_8 : memref<8xi32, #tpu.memory_space<vmem>>) semaphore(%arg14 : memref<!tpu.dma_semaphore, #tpu.memory_space<semaphore_mem>>)
    %dma_start3A_12 = arith.constant 16 : i32
    %dma_start3A_13 = tpu.memref_slice %arg5[%dma_start3A_12] : memref<1024xi32, #tpu.memory_space<vmem>> -> memref<8xi32, #tpu.memory_space<vmem>>
    %dma_start3A_14 = arith.constant 0 : i32
    %dma_start3A_15 = arith.constant 0 : i32
    %dma_start3A_16 = tpu.memref_slice %arg2[%dma_start3A_14, %dma_start3A_15] : memref<8192x2048xf32, #tpu.memory_space<hbm>> -> memref<8192x2048xf32, #tpu.memory_space<hbm>>
    tpu.enqueue_indirect_dma source(%dma_start3A_16 : memref<8192x2048xf32, #tpu.memory_space<hbm>>) target(%arg8 : memref<8x2048xf32, #tpu.memory_space<vmem>>) offsets(%dma_start3A_13 : memref<8xi32, #tpu.memory_space<vmem>>) semaphore(%arg15 : memref<!tpu.dma_semaphore, #tpu.memory_space<semaphore_mem>>)
    %dma_start3A_17 = arith.constant 24 : i32
    %dma_start3A_18 = tpu.memref_slice %arg5[%dma_start3A_17] : memref<1024xi32, #tpu.memory_space<vmem>> -> memref<8xi32, #tpu.memory_space<vmem>>
    %dma_start3A_19 = arith.constant 0 : i32
    %dma_start3A_20 = arith.constant 0 : i32
    %dma_start3A_21 = tpu.memref_slice %arg2[%dma_start3A_19, %dma_start3A_20] : memref<8192x2048xf32, #tpu.memory_space<hbm>> -> memref<8192x2048xf32, #tpu.memory_space<hbm>>
    tpu.enqueue_indirect_dma source(%dma_start3A_21 : memref<8192x2048xf32, #tpu.memory_space<hbm>>) target(%arg9 : memref<8x2048xf32, #tpu.memory_space<vmem>>) offsets(%dma_start3A_18 : memref<8xi32, #tpu.memory_space<vmem>>) semaphore(%arg16 : memref<!tpu.dma_semaphore, #tpu.memory_space<semaphore_mem>>)
    %dma_start3A_22 = arith.constant 32 : i32
    %dma_start3A_23 = tpu.memref_slice %arg5[%dma_start3A_22] : memref<1024xi32, #tpu.memory_space<vmem>> -> memref<8xi32, #tpu.memory_space<vmem>>
    %dma_start3A_24 = arith.constant 0 : i32
    %dma_start3A_25 = arith.constant 0 : i32
    %dma_start3A_26 = tpu.memref_slice %arg2[%dma_start3A_24, %dma_start3A_25] : memref<8192x2048xf32, #tpu.memory_space<hbm>> -> memref<8192x2048xf32, #tpu.memory_space<hbm>>
    tpu.enqueue_indirect_dma source(%dma_start3A_26 : memref<8192x2048xf32, #tpu.memory_space<hbm>>) target(%arg10 : memref<8x2048xf32, #tpu.memory_space<vmem>>) offsets(%dma_start3A_23 : memref<8xi32, #tpu.memory_space<vmem>>) semaphore(%arg17 : memref<!tpu.dma_semaphore, #tpu.memory_space<semaphore_mem>>)
    %dma_start3A_27 = arith.constant 40 : i32
    %dma_start3A_28 = tpu.memref_slice %arg5[%dma_start3A_27] : memref<1024xi32, #tpu.memory_space<vmem>> -> memref<8xi32, #tpu.memory_space<vmem>>
    %dma_start3A_29 = arith.constant 0 : i32
    %dma_start3A_30 = arith.constant 0 : i32
    %dma_start3A_31 = tpu.memref_slice %arg2[%dma_start3A_29, %dma_start3A_30] : memref<8192x2048xf32, #tpu.memory_space<hbm>> -> memref<8192x2048xf32, #tpu.memory_space<hbm>>
    tpu.enqueue_indirect_dma source(%dma_start3A_31 : memref<8192x2048xf32, #tpu.memory_space<hbm>>) target(%arg11 : memref<8x2048xf32, #tpu.memory_space<vmem>>) offsets(%dma_start3A_28 : memref<8xi32, #tpu.memory_space<vmem>>) semaphore(%arg18 : memref<!tpu.dma_semaphore, #tpu.memory_space<semaphore_mem>>)
    %dma_wait3A = arith.constant 0 : i32
    %dma_wait3A_32 = arith.constant 0 : i32
    %dma_wait3A_33 = tpu.memref_slice %arg2[%dma_wait3A, %dma_wait3A_32] : memref<8192x2048xf32, #tpu.memory_space<hbm>> -> memref<8x2048xf32, #tpu.memory_space<hbm>>
    %dma_wait3A_34 = arith.constant 0 : i32
    %dma_wait3A_35 = arith.constant 0 : i32
    %dma_wait3A_36 = tpu.memref_slice %arg2[%dma_wait3A_34, %dma_wait3A_35] : memref<8192x2048xf32, #tpu.memory_space<hbm>> -> memref<8x2048xf32, #tpu.memory_space<hbm>>
    tpu.wait_dma2 semaphore(%arg13 : memref<!tpu.dma_semaphore, #tpu.memory_space<semaphore_mem>>) src(%dma_wait3A_36 : memref<8x2048xf32, #tpu.memory_space<hbm>>) dst(%arg6 : memref<8x2048xf32, #tpu.memory_space<vmem>>)
    %add3A_37 = arith.constant 0 : i32
    %add3A_38 = arith.addi %mul3A_2, %add3A_37 : i32
    %dma_start3A_39 = arith.constant 0 : i32
    %dma_start3A_40 = tpu.memref_slice %arg4[%add3A_38, %dma_start3A_39] : memref<32768x2048xf32, #tpu.memory_space<hbm>> -> memref<8x2048xf32, #tpu.memory_space<hbm>>
    %dma_start3A_41 = arith.constant 0 : i32
    %dma_start3A_42 = tpu.memref_slice %arg4[%add3A_38, %dma_start3A_41] : memref<32768x2048xf32, #tpu.memory_space<hbm>> -> memref<8x2048xf32, #tpu.memory_space<hbm>>
    tpu.enqueue_dma source(%arg6 : memref<8x2048xf32, #tpu.memory_space<vmem>>) target(%dma_start3A_42 : memref<8x2048xf32, #tpu.memory_space<hbm>>) target_semaphore(%arg20 : memref<!tpu.dma_semaphore, #tpu.memory_space<semaphore_mem>>)
    %dma_start3A_43 = arith.constant 48 : i32
    %dma_start3A_44 = tpu.memref_slice %arg5[%dma_start3A_43] : memref<1024xi32, #tpu.memory_space<vmem>> -> memref<8xi32, #tpu.memory_space<vmem>>
    %dma_start3A_45 = arith.constant 0 : i32
    %dma_start3A_46 = arith.constant 0 : i32
    %dma_start3A_47 = tpu.memref_slice %arg2[%dma_start3A_45, %dma_start3A_46] : memref<8192x2048xf32, #tpu.memory_space<hbm>> -> memref<8192x2048xf32, #tpu.memory_space<hbm>>
    tpu.enqueue_indirect_dma source(%dma_start3A_47 : memref<8192x2048xf32, #tpu.memory_space<hbm>>) target(%arg12 : memref<8x2048xf32, #tpu.memory_space<vmem>>) offsets(%dma_start3A_44 : memref<8xi32, #tpu.memory_space<vmem>>) semaphore(%arg19 : memref<!tpu.dma_semaphore, #tpu.memory_space<semaphore_mem>>)
    %scan3A = arith.constant 0 : i32
    %scan3A_48 = arith.constant 17 : i32
    %scan3A_49 = arith.addi %scan3A, %scan3A_48 : i32
    %scan3A_50 = arith.constant 1 : i32
    scf.for %scan3A_212 = %scan3A to %scan3A_49 step %scan3A_50  : i32 {
      %mul3A_213 = arith.constant 7 : i32
      %mul3A_214 = arith.muli %scan3A_212, %mul3A_213 : i32
      %add3A_215 = arith.constant 1 : i32
      %add3A_216 = arith.addi %add3A_215, %mul3A_214 : i32
      %dma_wait3A_217 = arith.constant 0 : i32
      %dma_wait3A_218 = arith.constant 0 : i32
      %dma_wait3A_219 = tpu.memref_slice %arg2[%dma_wait3A_217, %dma_wait3A_218] : memref<8192x2048xf32, #tpu.memory_space<hbm>> -> memref<8x2048xf32, #tpu.memory_space<hbm>>
      %dma_wait3A_220 = arith.constant 0 : i32
      %dma_wait3A_221 = arith.constant 0 : i32
      %dma_wait3A_222 = tpu.memref_slice %arg2[%dma_wait3A_220, %dma_wait3A_221] : memref<8192x2048xf32, #tpu.memory_space<hbm>> -> memref<8x2048xf32, #tpu.memory_space<hbm>>
      tpu.wait_dma2 semaphore(%arg14 : memref<!tpu.dma_semaphore, #tpu.memory_space<semaphore_mem>>) src(%dma_wait3A_222 : memref<8x2048xf32, #tpu.memory_space<hbm>>) dst(%arg7 : memref<8x2048xf32, #tpu.memory_space<vmem>>)
      %add3A_223 = arith.constant 0 : i32
      %add3A_224 = arith.addi %add3A_216, %add3A_223 : i32
      %mul3A_225 = arith.constant 8 : i32
      %mul3A_226 = arith.muli %add3A_224, %mul3A_225 : i32
      %add3A_227 = arith.addi %mul3A_2, %mul3A_226 : i32
      %dma_start3A_228 = arith.constant 0 : i32
      %dma_start3A_229 = tpu.memref_slice %arg4[%add3A_227, %dma_start3A_228] : memref<32768x2048xf32, #tpu.memory_space<hbm>> -> memref<8x2048xf32, #tpu.memory_space<hbm>>
      %dma_start3A_230 = arith.constant 0 : i32
      %dma_start3A_231 = tpu.memref_slice %arg4[%add3A_227, %dma_start3A_230] : memref<32768x2048xf32, #tpu.memory_space<hbm>> -> memref<8x2048xf32, #tpu.memory_space<hbm>>
      tpu.enqueue_dma source(%arg7 : memref<8x2048xf32, #tpu.memory_space<vmem>>) target(%dma_start3A_231 : memref<8x2048xf32, #tpu.memory_space<hbm>>) target_semaphore(%arg21 : memref<!tpu.dma_semaphore, #tpu.memory_space<semaphore_mem>>)
      %dma_wait3A_232 = arith.constant 0 : i32
      %dma_wait3A_233 = arith.constant 0 : i32
      %dma_wait3A_234 = tpu.memref_slice %arg4[%dma_wait3A_232, %dma_wait3A_233] : memref<32768x2048xf32, #tpu.memory_space<hbm>> -> memref<8x2048xf32, #tpu.memory_space<hbm>>
      %dma_wait3A_235 = arith.constant 0 : i32
      %dma_wait3A_236 = arith.constant 0 : i32
      %dma_wait3A_237 = tpu.memref_slice %arg4[%dma_wait3A_235, %dma_wait3A_236] : memref<32768x2048xf32, #tpu.memory_space<hbm>> -> memref<8x2048xf32, #tpu.memory_space<hbm>>
      tpu.wait_dma2 semaphore(%arg20 : memref<!tpu.dma_semaphore, #tpu.memory_space<semaphore_mem>>) src(%dma_wait3A_237 : memref<8x2048xf32, #tpu.memory_space<hbm>>) dst(%arg6 : memref<8x2048xf32, #tpu.memory_space<vmem>>)
      %add3A_238 = arith.constant 0 : i32
      %add3A_239 = arith.addi %add3A_216, %add3A_238 : i32
      %add3A_240 = arith.constant 7 : i32
      %add3A_241 = arith.addi %add3A_239, %add3A_240 : i32
      %sub3A = arith.constant 1 : i32
      %sub3A_242 = arith.subi %add3A_241, %sub3A : i32
      %mul3A_243 = arith.constant 8 : i32
      %mul3A_244 = arith.muli %sub3A_242, %mul3A_243 : i32
      %dma_start3A_245 = tpu.memref_slice %arg5[%mul3A_244] : memref<1024xi32, #tpu.memory_space<vmem>> -> memref<8xi32, #tpu.memory_space<vmem>>
      %dma_start3A_246 = arith.constant 0 : i32
      %dma_start3A_247 = arith.constant 0 : i32
      %dma_start3A_248 = tpu.memref_slice %arg2[%dma_start3A_246, %dma_start3A_247] : memref<8192x2048xf32, #tpu.memory_space<hbm>> -> memref<8192x2048xf32, #tpu.memory_space<hbm>>
      tpu.enqueue_indirect_dma source(%dma_start3A_248 : memref<8192x2048xf32, #tpu.memory_space<hbm>>) target(%arg6 : memref<8x2048xf32, #tpu.memory_space<vmem>>) offsets(%dma_start3A_245 : memref<8xi32, #tpu.memory_space<vmem>>) semaphore(%arg13 : memref<!tpu.dma_semaphore, #tpu.memory_space<semaphore_mem>>)
      %dma_wait3A_249 = arith.constant 0 : i32
      %dma_wait3A_250 = arith.constant 0 : i32
      %dma_wait3A_251 = tpu.memref_slice %arg2[%dma_wait3A_249, %dma_wait3A_250] : memref<8192x2048xf32, #tpu.memory_space<hbm>> -> memref<8x2048xf32, #tpu.memory_space<hbm>>
      %dma_wait3A_252 = arith.constant 0 : i32
      %dma_wait3A_253 = arith.constant 0 : i32
      %dma_wait3A_254 = tpu.memref_slice %arg2[%dma_wait3A_252, %dma_wait3A_253] : memref<8192x2048xf32, #tpu.memory_space<hbm>> -> memref<8x2048xf32, #tpu.memory_space<hbm>>
      tpu.wait_dma2 semaphore(%arg15 : memref<!tpu.dma_semaphore, #tpu.memory_space<semaphore_mem>>) src(%dma_wait3A_254 : memref<8x2048xf32, #tpu.memory_space<hbm>>) dst(%arg8 : memref<8x2048xf32, #tpu.memory_space<vmem>>)
      %add3A_255 = arith.constant 1 : i32
      %add3A_256 = arith.addi %add3A_216, %add3A_255 : i32
      %mul3A_257 = arith.constant 8 : i32
      %mul3A_258 = arith.muli %add3A_256, %mul3A_257 : i32
      %add3A_259 = arith.addi %mul3A_2, %mul3A_258 : i32
      %dma_start3A_260 = arith.constant 0 : i32
      %dma_start3A_261 = tpu.memref_slice %arg4[%add3A_259, %dma_start3A_260] : memref<32768x2048xf32, #tpu.memory_space<hbm>> -> memref<8x2048xf32, #tpu.memory_space<hbm>>
      %dma_start3A_262 = arith.constant 0 : i32
      %dma_start3A_263 = tpu.memref_slice %arg4[%add3A_259, %dma_start3A_262] : memref<32768x2048xf32, #tpu.memory_space<hbm>> -> memref<8x2048xf32, #tpu.memory_space<hbm>>
      tpu.enqueue_dma source(%arg8 : memref<8x2048xf32, #tpu.memory_space<vmem>>) target(%dma_start3A_263 : memref<8x2048xf32, #tpu.memory_space<hbm>>) target_semaphore(%arg22 : memref<!tpu.dma_semaphore, #tpu.memory_space<semaphore_mem>>)
      %dma_wait3A_264 = arith.constant 0 : i32
      %dma_wait3A_265 = arith.constant 0 : i32
      %dma_wait3A_266 = tpu.memref_slice %arg4[%dma_wait3A_264, %dma_wait3A_265] : memref<32768x2048xf32, #tpu.memory_space<hbm>> -> memref<8x2048xf32, #tpu.memory_space<hbm>>
      %dma_wait3A_267 = arith.constant 0 : i32
      %dma_wait3A_268 = arith.constant 0 : i32
      %dma_wait3A_269 = tpu.memref_slice %arg4[%dma_wait3A_267, %dma_wait3A_268] : memref<32768x2048xf32, #tpu.memory_space<hbm>> -> memref<8x2048xf32, #tpu.memory_space<hbm>>
      tpu.wait_dma2 semaphore(%arg21 : memref<!tpu.dma_semaphore, #tpu.memory_space<semaphore_mem>>) src(%dma_wait3A_269 : memref<8x2048xf32, #tpu.memory_space<hbm>>) dst(%arg7 : memref<8x2048xf32, #tpu.memory_space<vmem>>)
      %add3A_270 = arith.constant 1 : i32
      %add3A_271 = arith.addi %add3A_216, %add3A_270 : i32
      %add3A_272 = arith.constant 7 : i32
      %add3A_273 = arith.addi %add3A_271, %add3A_272 : i32
      %sub3A_274 = arith.constant 1 : i32
      %sub3A_275 = arith.subi %add3A_273, %sub3A_274 : i32
      %mul3A_276 = arith.constant 8 : i32
      %mul3A_277 = arith.muli %sub3A_275, %mul3A_276 : i32
      %dma_start3A_278 = tpu.memref_slice %arg5[%mul3A_277] : memref<1024xi32, #tpu.memory_space<vmem>> -> memref<8xi32, #tpu.memory_space<vmem>>
      %dma_start3A_279 = arith.constant 0 : i32
      %dma_start3A_280 = arith.constant 0 : i32
      %dma_start3A_281 = tpu.memref_slice %arg2[%dma_start3A_279, %dma_start3A_280] : memref<8192x2048xf32, #tpu.memory_space<hbm>> -> memref<8192x2048xf32, #tpu.memory_space<hbm>>
      tpu.enqueue_indirect_dma source(%dma_start3A_281 : memref<8192x2048xf32, #tpu.memory_space<hbm>>) target(%arg7 : memref<8x2048xf32, #tpu.memory_space<vmem>>) offsets(%dma_start3A_278 : memref<8xi32, #tpu.memory_space<vmem>>) semaphore(%arg14 : memref<!tpu.dma_semaphore, #tpu.memory_space<semaphore_mem>>)
      %dma_wait3A_282 = arith.constant 0 : i32
      %dma_wait3A_283 = arith.constant 0 : i32
      %dma_wait3A_284 = tpu.memref_slice %arg2[%dma_wait3A_282, %dma_wait3A_283] : memref<8192x2048xf32, #tpu.memory_space<hbm>> -> memref<8x2048xf32, #tpu.memory_space<hbm>>
      %dma_wait3A_285 = arith.constant 0 : i32
      %dma_wait3A_286 = arith.constant 0 : i32
      %dma_wait3A_287 = tpu.memref_slice %arg2[%dma_wait3A_285, %dma_wait3A_286] : memref<8192x2048xf32, #tpu.memory_space<hbm>> -> memref<8x2048xf32, #tpu.memory_space<hbm>>
      tpu.wait_dma2 semaphore(%arg16 : memref<!tpu.dma_semaphore, #tpu.memory_space<semaphore_mem>>) src(%dma_wait3A_287 : memref<8x2048xf32, #tpu.memory_space<hbm>>) dst(%arg9 : memref<8x2048xf32, #tpu.memory_space<vmem>>)
      %add3A_288 = arith.constant 2 : i32
      %add3A_289 = arith.addi %add3A_216, %add3A_288 : i32
      %mul3A_290 = arith.constant 8 : i32
      %mul3A_291 = arith.muli %add3A_289, %mul3A_290 : i32
      %add3A_292 = arith.addi %mul3A_2, %mul3A_291 : i32
      %dma_start3A_293 = arith.constant 0 : i32
      %dma_start3A_294 = tpu.memref_slice %arg4[%add3A_292, %dma_start3A_293] : memref<32768x2048xf32, #tpu.memory_space<hbm>> -> memref<8x2048xf32, #tpu.memory_space<hbm>>
      %dma_start3A_295 = arith.constant 0 : i32
      %dma_start3A_296 = tpu.memref_slice %arg4[%add3A_292, %dma_start3A_295] : memref<32768x2048xf32, #tpu.memory_space<hbm>> -> memref<8x2048xf32, #tpu.memory_space<hbm>>
      tpu.enqueue_dma source(%arg9 : memref<8x2048xf32, #tpu.memory_space<vmem>>) target(%dma_start3A_296 : memref<8x2048xf32, #tpu.memory_space<hbm>>) target_semaphore(%arg23 : memref<!tpu.dma_semaphore, #tpu.memory_space<semaphore_mem>>)
      %dma_wait3A_297 = arith.constant 0 : i32
      %dma_wait3A_298 = arith.constant 0 : i32
      %dma_wait3A_299 = tpu.memref_slice %arg4[%dma_wait3A_297, %dma_wait3A_298] : memref<32768x2048xf32, #tpu.memory_space<hbm>> -> memref<8x2048xf32, #tpu.memory_space<hbm>>
      %dma_wait3A_300 = arith.constant 0 : i32
      %dma_wait3A_301 = arith.constant 0 : i32
      %dma_wait3A_302 = tpu.memref_slice %arg4[%dma_wait3A_300, %dma_wait3A_301] : memref<32768x2048xf32, #tpu.memory_space<hbm>> -> memref<8x2048xf32, #tpu.memory_space<hbm>>
      tpu.wait_dma2 semaphore(%arg22 : memref<!tpu.dma_semaphore, #tpu.memory_space<semaphore_mem>>) src(%dma_wait3A_302 : memref<8x2048xf32, #tpu.memory_space<hbm>>) dst(%arg8 : memref<8x2048xf32, #tpu.memory_space<vmem>>)
      %add3A_303 = arith.constant 2 : i32
      %add3A_304 = arith.addi %add3A_216, %add3A_303 : i32
      %add3A_305 = arith.constant 7 : i32
      %add3A_306 = arith.addi %add3A_304, %add3A_305 : i32
      %sub3A_307 = arith.constant 1 : i32
      %sub3A_308 = arith.subi %add3A_306, %sub3A_307 : i32
      %mul3A_309 = arith.constant 8 : i32
      %mul3A_310 = arith.muli %sub3A_308, %mul3A_309 : i32
      %dma_start3A_311 = tpu.memref_slice %arg5[%mul3A_310] : memref<1024xi32, #tpu.memory_space<vmem>> -> memref<8xi32, #tpu.memory_space<vmem>>
      %dma_start3A_312 = arith.constant 0 : i32
      %dma_start3A_313 = arith.constant 0 : i32
      %dma_start3A_314 = tpu.memref_slice %arg2[%dma_start3A_312, %dma_start3A_313] : memref<8192x2048xf32, #tpu.memory_space<hbm>> -> memref<8192x2048xf32, #tpu.memory_space<hbm>>
      tpu.enqueue_indirect_dma source(%dma_start3A_314 : memref<8192x2048xf32, #tpu.memory_space<hbm>>) target(%arg8 : memref<8x2048xf32, #tpu.memory_space<vmem>>) offsets(%dma_start3A_311 : memref<8xi32, #tpu.memory_space<vmem>>) semaphore(%arg15 : memref<!tpu.dma_semaphore, #tpu.memory_space<semaphore_mem>>)
      %dma_wait3A_315 = arith.constant 0 : i32
      %dma_wait3A_316 = arith.constant 0 : i32
      %dma_wait3A_317 = tpu.memref_slice %arg2[%dma_wait3A_315, %dma_wait3A_316] : memref<8192x2048xf32, #tpu.memory_space<hbm>> -> memref<8x2048xf32, #tpu.memory_space<hbm>>
      %dma_wait3A_318 = arith.constant 0 : i32
      %dma_wait3A_319 = arith.constant 0 : i32
      %dma_wait3A_320 = tpu.memref_slice %arg2[%dma_wait3A_318, %dma_wait3A_319] : memref<8192x2048xf32, #tpu.memory_space<hbm>> -> memref<8x2048xf32, #tpu.memory_space<hbm>>
      tpu.wait_dma2 semaphore(%arg17 : memref<!tpu.dma_semaphore, #tpu.memory_space<semaphore_mem>>) src(%dma_wait3A_320 : memref<8x2048xf32, #tpu.memory_space<hbm>>) dst(%arg10 : memref<8x2048xf32, #tpu.memory_space<vmem>>)
      %add3A_321 = arith.constant 3 : i32
      %add3A_322 = arith.addi %add3A_216, %add3A_321 : i32
      %mul3A_323 = arith.constant 8 : i32
      %mul3A_324 = arith.muli %add3A_322, %mul3A_323 : i32
      %add3A_325 = arith.addi %mul3A_2, %mul3A_324 : i32
      %dma_start3A_326 = arith.constant 0 : i32
      %dma_start3A_327 = tpu.memref_slice %arg4[%add3A_325, %dma_start3A_326] : memref<32768x2048xf32, #tpu.memory_space<hbm>> -> memref<8x2048xf32, #tpu.memory_space<hbm>>
      %dma_start3A_328 = arith.constant 0 : i32
      %dma_start3A_329 = tpu.memref_slice %arg4[%add3A_325, %dma_start3A_328] : memref<32768x2048xf32, #tpu.memory_space<hbm>> -> memref<8x2048xf32, #tpu.memory_space<hbm>>
      tpu.enqueue_dma source(%arg10 : memref<8x2048xf32, #tpu.memory_space<vmem>>) target(%dma_start3A_329 : memref<8x2048xf32, #tpu.memory_space<hbm>>) target_semaphore(%arg24 : memref<!tpu.dma_semaphore, #tpu.memory_space<semaphore_mem>>)
      %dma_wait3A_330 = arith.constant 0 : i32
      %dma_wait3A_331 = arith.constant 0 : i32
      %dma_wait3A_332 = tpu.memref_slice %arg4[%dma_wait3A_330, %dma_wait3A_331] : memref<32768x2048xf32, #tpu.memory_space<hbm>> -> memref<8x2048xf32, #tpu.memory_space<hbm>>
      %dma_wait3A_333 = arith.constant 0 : i32
      %dma_wait3A_334 = arith.constant 0 : i32
      %dma_wait3A_335 = tpu.memref_slice %arg4[%dma_wait3A_333, %dma_wait3A_334] : memref<32768x2048xf32, #tpu.memory_space<hbm>> -> memref<8x2048xf32, #tpu.memory_space<hbm>>
      tpu.wait_dma2 semaphore(%arg23 : memref<!tpu.dma_semaphore, #tpu.memory_space<semaphore_mem>>) src(%dma_wait3A_335 : memref<8x2048xf32, #tpu.memory_space<hbm>>) dst(%arg9 : memref<8x2048xf32, #tpu.memory_space<vmem>>)
      %add3A_336 = arith.constant 3 : i32
      %add3A_337 = arith.addi %add3A_216, %add3A_336 : i32
      %add3A_338 = arith.constant 7 : i32
      %add3A_339 = arith.addi %add3A_337, %add3A_338 : i32
      %sub3A_340 = arith.constant 1 : i32
      %sub3A_341 = arith.subi %add3A_339, %sub3A_340 : i32
      %mul3A_342 = arith.constant 8 : i32
      %mul3A_343 = arith.muli %sub3A_341, %mul3A_342 : i32
      %dma_start3A_344 = tpu.memref_slice %arg5[%mul3A_343] : memref<1024xi32, #tpu.memory_space<vmem>> -> memref<8xi32, #tpu.memory_space<vmem>>
      %dma_start3A_345 = arith.constant 0 : i32
      %dma_start3A_346 = arith.constant 0 : i32
      %dma_start3A_347 = tpu.memref_slice %arg2[%dma_start3A_345, %dma_start3A_346] : memref<8192x2048xf32, #tpu.memory_space<hbm>> -> memref<8192x2048xf32, #tpu.memory_space<hbm>>
      tpu.enqueue_indirect_dma source(%dma_start3A_347 : memref<8192x2048xf32, #tpu.memory_space<hbm>>) target(%arg9 : memref<8x2048xf32, #tpu.memory_space<vmem>>) offsets(%dma_start3A_344 : memref<8xi32, #tpu.memory_space<vmem>>) semaphore(%arg16 : memref<!tpu.dma_semaphore, #tpu.memory_space<semaphore_mem>>)
      %dma_wait3A_348 = arith.constant 0 : i32
      %dma_wait3A_349 = arith.constant 0 : i32
      %dma_wait3A_350 = tpu.memref_slice %arg2[%dma_wait3A_348, %dma_wait3A_349] : memref<8192x2048xf32, #tpu.memory_space<hbm>> -> memref<8x2048xf32, #tpu.memory_space<hbm>>
      %dma_wait3A_351 = arith.constant 0 : i32
      %dma_wait3A_352 = arith.constant 0 : i32
      %dma_wait3A_353 = tpu.memref_slice %arg2[%dma_wait3A_351, %dma_wait3A_352] : memref<8192x2048xf32, #tpu.memory_space<hbm>> -> memref<8x2048xf32, #tpu.memory_space<hbm>>
      tpu.wait_dma2 semaphore(%arg18 : memref<!tpu.dma_semaphore, #tpu.memory_space<semaphore_mem>>) src(%dma_wait3A_353 : memref<8x2048xf32, #tpu.memory_space<hbm>>) dst(%arg11 : memref<8x2048xf32, #tpu.memory_space<vmem>>)
      %add3A_354 = arith.constant 4 : i32
      %add3A_355 = arith.addi %add3A_216, %add3A_354 : i32
      %mul3A_356 = arith.constant 8 : i32
      %mul3A_357 = arith.muli %add3A_355, %mul3A_356 : i32
      %add3A_358 = arith.addi %mul3A_2, %mul3A_357 : i32
      %dma_start3A_359 = arith.constant 0 : i32
      %dma_start3A_360 = tpu.memref_slice %arg4[%add3A_358, %dma_start3A_359] : memref<32768x2048xf32, #tpu.memory_space<hbm>> -> memref<8x2048xf32, #tpu.memory_space<hbm>>
      %dma_start3A_361 = arith.constant 0 : i32
      %dma_start3A_362 = tpu.memref_slice %arg4[%add3A_358, %dma_start3A_361] : memref<32768x2048xf32, #tpu.memory_space<hbm>> -> memref<8x2048xf32, #tpu.memory_space<hbm>>
      tpu.enqueue_dma source(%arg11 : memref<8x2048xf32, #tpu.memory_space<vmem>>) target(%dma_start3A_362 : memref<8x2048xf32, #tpu.memory_space<hbm>>) target_semaphore(%arg25 : memref<!tpu.dma_semaphore, #tpu.memory_space<semaphore_mem>>)
      %dma_wait3A_363 = arith.constant 0 : i32
      %dma_wait3A_364 = arith.constant 0 : i32
      %dma_wait3A_365 = tpu.memref_slice %arg4[%dma_wait3A_363, %dma_wait3A_364] : memref<32768x2048xf32, #tpu.memory_space<hbm>> -> memref<8x2048xf32, #tpu.memory_space<hbm>>
      %dma_wait3A_366 = arith.constant 0 : i32
      %dma_wait3A_367 = arith.constant 0 : i32
      %dma_wait3A_368 = tpu.memref_slice %arg4[%dma_wait3A_366, %dma_wait3A_367] : memref<32768x2048xf32, #tpu.memory_space<hbm>> -> memref<8x2048xf32, #tpu.memory_space<hbm>>
      tpu.wait_dma2 semaphore(%arg24 : memref<!tpu.dma_semaphore, #tpu.memory_space<semaphore_mem>>) src(%dma_wait3A_368 : memref<8x2048xf32, #tpu.memory_space<hbm>>) dst(%arg10 : memref<8x2048xf32, #tpu.memory_space<vmem>>)
      %add3A_369 = arith.constant 4 : i32
      %add3A_370 = arith.addi %add3A_216, %add3A_369 : i32
      %add3A_371 = arith.constant 7 : i32
      %add3A_372 = arith.addi %add3A_370, %add3A_371 : i32
      %sub3A_373 = arith.constant 1 : i32
      %sub3A_374 = arith.subi %add3A_372, %sub3A_373 : i32
      %mul3A_375 = arith.constant 8 : i32
      %mul3A_376 = arith.muli %sub3A_374, %mul3A_375 : i32
      %dma_start3A_377 = tpu.memref_slice %arg5[%mul3A_376] : memref<1024xi32, #tpu.memory_space<vmem>> -> memref<8xi32, #tpu.memory_space<vmem>>
      %dma_start3A_378 = arith.constant 0 : i32
      %dma_start3A_379 = arith.constant 0 : i32
      %dma_start3A_380 = tpu.memref_slice %arg2[%dma_start3A_378, %dma_start3A_379] : memref<8192x2048xf32, #tpu.memory_space<hbm>> -> memref<8192x2048xf32, #tpu.memory_space<hbm>>
      tpu.enqueue_indirect_dma source(%dma_start3A_380 : memref<8192x2048xf32, #tpu.memory_space<hbm>>) target(%arg10 : memref<8x2048xf32, #tpu.memory_space<vmem>>) offsets(%dma_start3A_377 : memref<8xi32, #tpu.memory_space<vmem>>) semaphore(%arg17 : memref<!tpu.dma_semaphore, #tpu.memory_space<semaphore_mem>>)
      %dma_wait3A_381 = arith.constant 0 : i32
      %dma_wait3A_382 = arith.constant 0 : i32
      %dma_wait3A_383 = tpu.memref_slice %arg2[%dma_wait3A_381, %dma_wait3A_382] : memref<8192x2048xf32, #tpu.memory_space<hbm>> -> memref<8x2048xf32, #tpu.memory_space<hbm>>
      %dma_wait3A_384 = arith.constant 0 : i32
      %dma_wait3A_385 = arith.constant 0 : i32
      %dma_wait3A_386 = tpu.memref_slice %arg2[%dma_wait3A_384, %dma_wait3A_385] : memref<8192x2048xf32, #tpu.memory_space<hbm>> -> memref<8x2048xf32, #tpu.memory_space<hbm>>
      tpu.wait_dma2 semaphore(%arg19 : memref<!tpu.dma_semaphore, #tpu.memory_space<semaphore_mem>>) src(%dma_wait3A_386 : memref<8x2048xf32, #tpu.memory_space<hbm>>) dst(%arg12 : memref<8x2048xf32, #tpu.memory_space<vmem>>)
      %add3A_387 = arith.constant 5 : i32
      %add3A_388 = arith.addi %add3A_216, %add3A_387 : i32
      %mul3A_389 = arith.constant 8 : i32
      %mul3A_390 = arith.muli %add3A_388, %mul3A_389 : i32
      %add3A_391 = arith.addi %mul3A_2, %mul3A_390 : i32
      %dma_start3A_392 = arith.constant 0 : i32
      %dma_start3A_393 = tpu.memref_slice %arg4[%add3A_391, %dma_start3A_392] : memref<32768x2048xf32, #tpu.memory_space<hbm>> -> memref<8x2048xf32, #tpu.memory_space<hbm>>
      %dma_start3A_394 = arith.constant 0 : i32
      %dma_start3A_395 = tpu.memref_slice %arg4[%add3A_391, %dma_start3A_394] : memref<32768x2048xf32, #tpu.memory_space<hbm>> -> memref<8x2048xf32, #tpu.memory_space<hbm>>
      tpu.enqueue_dma source(%arg12 : memref<8x2048xf32, #tpu.memory_space<vmem>>) target(%dma_start3A_395 : memref<8x2048xf32, #tpu.memory_space<hbm>>) target_semaphore(%arg26 : memref<!tpu.dma_semaphore, #tpu.memory_space<semaphore_mem>>)
      %dma_wait3A_396 = arith.constant 0 : i32
      %dma_wait3A_397 = arith.constant 0 : i32
      %dma_wait3A_398 = tpu.memref_slice %arg4[%dma_wait3A_396, %dma_wait3A_397] : memref<32768x2048xf32, #tpu.memory_space<hbm>> -> memref<8x2048xf32, #tpu.memory_space<hbm>>
      %dma_wait3A_399 = arith.constant 0 : i32
      %dma_wait3A_400 = arith.constant 0 : i32
      %dma_wait3A_401 = tpu.memref_slice %arg4[%dma_wait3A_399, %dma_wait3A_400] : memref<32768x2048xf32, #tpu.memory_space<hbm>> -> memref<8x2048xf32, #tpu.memory_space<hbm>>
      tpu.wait_dma2 semaphore(%arg25 : memref<!tpu.dma_semaphore, #tpu.memory_space<semaphore_mem>>) src(%dma_wait3A_401 : memref<8x2048xf32, #tpu.memory_space<hbm>>) dst(%arg11 : memref<8x2048xf32, #tpu.memory_space<vmem>>)
      %add3A_402 = arith.constant 5 : i32
      %add3A_403 = arith.addi %add3A_216, %add3A_402 : i32
      %add3A_404 = arith.constant 7 : i32
      %add3A_405 = arith.addi %add3A_403, %add3A_404 : i32
      %sub3A_406 = arith.constant 1 : i32
      %sub3A_407 = arith.subi %add3A_405, %sub3A_406 : i32
      %mul3A_408 = arith.constant 8 : i32
      %mul3A_409 = arith.muli %sub3A_407, %mul3A_408 : i32
      %dma_start3A_410 = tpu.memref_slice %arg5[%mul3A_409] : memref<1024xi32, #tpu.memory_space<vmem>> -> memref<8xi32, #tpu.memory_space<vmem>>
      %dma_start3A_411 = arith.constant 0 : i32
      %dma_start3A_412 = arith.constant 0 : i32
      %dma_start3A_413 = tpu.memref_slice %arg2[%dma_start3A_411, %dma_start3A_412] : memref<8192x2048xf32, #tpu.memory_space<hbm>> -> memref<8192x2048xf32, #tpu.memory_space<hbm>>
      tpu.enqueue_indirect_dma source(%dma_start3A_413 : memref<8192x2048xf32, #tpu.memory_space<hbm>>) target(%arg11 : memref<8x2048xf32, #tpu.memory_space<vmem>>) offsets(%dma_start3A_410 : memref<8xi32, #tpu.memory_space<vmem>>) semaphore(%arg18 : memref<!tpu.dma_semaphore, #tpu.memory_space<semaphore_mem>>)
      %dma_wait3A_414 = arith.constant 0 : i32
      %dma_wait3A_415 = arith.constant 0 : i32
      %dma_wait3A_416 = tpu.memref_slice %arg2[%dma_wait3A_414, %dma_wait3A_415] : memref<8192x2048xf32, #tpu.memory_space<hbm>> -> memref<8x2048xf32, #tpu.memory_space<hbm>>
      %dma_wait3A_417 = arith.constant 0 : i32
      %dma_wait3A_418 = arith.constant 0 : i32
      %dma_wait3A_419 = tpu.memref_slice %arg2[%dma_wait3A_417, %dma_wait3A_418] : memref<8192x2048xf32, #tpu.memory_space<hbm>> -> memref<8x2048xf32, #tpu.memory_space<hbm>>
      tpu.wait_dma2 semaphore(%arg13 : memref<!tpu.dma_semaphore, #tpu.memory_space<semaphore_mem>>) src(%dma_wait3A_419 : memref<8x2048xf32, #tpu.memory_space<hbm>>) dst(%arg6 : memref<8x2048xf32, #tpu.memory_space<vmem>>)
      %add3A_420 = arith.constant 6 : i32
      %add3A_421 = arith.addi %add3A_216, %add3A_420 : i32
      %mul3A_422 = arith.constant 8 : i32
      %mul3A_423 = arith.muli %add3A_421, %mul3A_422 : i32
      %add3A_424 = arith.addi %mul3A_2, %mul3A_423 : i32
      %dma_start3A_425 = arith.constant 0 : i32
      %dma_start3A_426 = tpu.memref_slice %arg4[%add3A_424, %dma_start3A_425] : memref<32768x2048xf32, #tpu.memory_space<hbm>> -> memref<8x2048xf32, #tpu.memory_space<hbm>>
      %dma_start3A_427 = arith.constant 0 : i32
      %dma_start3A_428 = tpu.memref_slice %arg4[%add3A_424, %dma_start3A_427] : memref<32768x2048xf32, #tpu.memory_space<hbm>> -> memref<8x2048xf32, #tpu.memory_space<hbm>>
      tpu.enqueue_dma source(%arg6 : memref<8x2048xf32, #tpu.memory_space<vmem>>) target(%dma_start3A_428 : memref<8x2048xf32, #tpu.memory_space<hbm>>) target_semaphore(%arg20 : memref<!tpu.dma_semaphore, #tpu.memory_space<semaphore_mem>>)
      %dma_wait3A_429 = arith.constant 0 : i32
      %dma_wait3A_430 = arith.constant 0 : i32
      %dma_wait3A_431 = tpu.memref_slice %arg4[%dma_wait3A_429, %dma_wait3A_430] : memref<32768x2048xf32, #tpu.memory_space<hbm>> -> memref<8x2048xf32, #tpu.memory_space<hbm>>
      %dma_wait3A_432 = arith.constant 0 : i32
      %dma_wait3A_433 = arith.constant 0 : i32
      %dma_wait3A_434 = tpu.memref_slice %arg4[%dma_wait3A_432, %dma_wait3A_433] : memref<32768x2048xf32, #tpu.memory_space<hbm>> -> memref<8x2048xf32, #tpu.memory_space<hbm>>
      tpu.wait_dma2 semaphore(%arg26 : memref<!tpu.dma_semaphore, #tpu.memory_space<semaphore_mem>>) src(%dma_wait3A_434 : memref<8x2048xf32, #tpu.memory_space<hbm>>) dst(%arg12 : memref<8x2048xf32, #tpu.memory_space<vmem>>)
      %add3A_435 = arith.constant 6 : i32
      %add3A_436 = arith.addi %add3A_216, %add3A_435 : i32
      %add3A_437 = arith.constant 7 : i32
      %add3A_438 = arith.addi %add3A_436, %add3A_437 : i32
      %sub3A_439 = arith.constant 1 : i32
      %sub3A_440 = arith.subi %add3A_438, %sub3A_439 : i32
      %mul3A_441 = arith.constant 8 : i32
      %mul3A_442 = arith.muli %sub3A_440, %mul3A_441 : i32
      %dma_start3A_443 = tpu.memref_slice %arg5[%mul3A_442] : memref<1024xi32, #tpu.memory_space<vmem>> -> memref<8xi32, #tpu.memory_space<vmem>>
      %dma_start3A_444 = arith.constant 0 : i32
      %dma_start3A_445 = arith.constant 0 : i32
      %dma_start3A_446 = tpu.memref_slice %arg2[%dma_start3A_444, %dma_start3A_445] : memref<8192x2048xf32, #tpu.memory_space<hbm>> -> memref<8192x2048xf32, #tpu.memory_space<hbm>>
      tpu.enqueue_indirect_dma source(%dma_start3A_446 : memref<8192x2048xf32, #tpu.memory_space<hbm>>) target(%arg12 : memref<8x2048xf32, #tpu.memory_space<vmem>>) offsets(%dma_start3A_443 : memref<8xi32, #tpu.memory_space<vmem>>) semaphore(%arg19 : memref<!tpu.dma_semaphore, #tpu.memory_space<semaphore_mem>>)
    }
    %scan3A_51 = arith.constant 17 : i32
    %dma_wait3A_52 = arith.constant 0 : i32
    %dma_wait3A_53 = arith.constant 0 : i32
    %dma_wait3A_54 = tpu.memref_slice %arg2[%dma_wait3A_52, %dma_wait3A_53] : memref<8192x2048xf32, #tpu.memory_space<hbm>> -> memref<8x2048xf32, #tpu.memory_space<hbm>>
    %dma_wait3A_55 = arith.constant 0 : i32
    %dma_wait3A_56 = arith.constant 0 : i32
    %dma_wait3A_57 = tpu.memref_slice %arg2[%dma_wait3A_55, %dma_wait3A_56] : memref<8192x2048xf32, #tpu.memory_space<hbm>> -> memref<8x2048xf32, #tpu.memory_space<hbm>>
    tpu.wait_dma2 semaphore(%arg14 : memref<!tpu.dma_semaphore, #tpu.memory_space<semaphore_mem>>) src(%dma_wait3A_57 : memref<8x2048xf32, #tpu.memory_space<hbm>>) dst(%arg7 : memref<8x2048xf32, #tpu.memory_space<vmem>>)
    %add3A_58 = arith.constant 960 : i32
    %add3A_59 = arith.addi %mul3A_2, %add3A_58 : i32
    %dma_start3A_60 = arith.constant 0 : i32
    %dma_start3A_61 = tpu.memref_slice %arg4[%add3A_59, %dma_start3A_60] : memref<32768x2048xf32, #tpu.memory_space<hbm>> -> memref<8x2048xf32, #tpu.memory_space<hbm>>
    %dma_start3A_62 = arith.constant 0 : i32
    %dma_start3A_63 = tpu.memref_slice %arg4[%add3A_59, %dma_start3A_62] : memref<32768x2048xf32, #tpu.memory_space<hbm>> -> memref<8x2048xf32, #tpu.memory_space<hbm>>
    tpu.enqueue_dma source(%arg7 : memref<8x2048xf32, #tpu.memory_space<vmem>>) target(%dma_start3A_63 : memref<8x2048xf32, #tpu.memory_space<hbm>>) target_semaphore(%arg21 : memref<!tpu.dma_semaphore, #tpu.memory_space<semaphore_mem>>)
    %dma_wait3A_64 = arith.constant 0 : i32
    %dma_wait3A_65 = arith.constant 0 : i32
    %dma_wait3A_66 = tpu.memref_slice %arg4[%dma_wait3A_64, %dma_wait3A_65] : memref<32768x2048xf32, #tpu.memory_space<hbm>> -> memref<8x2048xf32, #tpu.memory_space<hbm>>
    %dma_wait3A_67 = arith.constant 0 : i32
    %dma_wait3A_68 = arith.constant 0 : i32
    %dma_wait3A_69 = tpu.memref_slice %arg4[%dma_wait3A_67, %dma_wait3A_68] : memref<32768x2048xf32, #tpu.memory_space<hbm>> -> memref<8x2048xf32, #tpu.memory_space<hbm>>
    tpu.wait_dma2 semaphore(%arg20 : memref<!tpu.dma_semaphore, #tpu.memory_space<semaphore_mem>>) src(%dma_wait3A_69 : memref<8x2048xf32, #tpu.memory_space<hbm>>) dst(%arg6 : memref<8x2048xf32, #tpu.memory_space<vmem>>)
    %dma_start3A_70 = arith.constant 1008 : i32
    %dma_start3A_71 = tpu.memref_slice %arg5[%dma_start3A_70] : memref<1024xi32, #tpu.memory_space<vmem>> -> memref<8xi32, #tpu.memory_space<vmem>>
    %dma_start3A_72 = arith.constant 0 : i32
    %dma_start3A_73 = arith.constant 0 : i32
    %dma_start3A_74 = tpu.memref_slice %arg2[%dma_start3A_72, %dma_start3A_73] : memref<8192x2048xf32, #tpu.memory_space<hbm>> -> memref<8192x2048xf32, #tpu.memory_space<hbm>>
    tpu.enqueue_indirect_dma source(%dma_start3A_74 : memref<8192x2048xf32, #tpu.memory_space<hbm>>) target(%arg6 : memref<8x2048xf32, #tpu.memory_space<vmem>>) offsets(%dma_start3A_71 : memref<8xi32, #tpu.memory_space<vmem>>) semaphore(%arg13 : memref<!tpu.dma_semaphore, #tpu.memory_space<semaphore_mem>>)
    %dma_wait3A_75 = arith.constant 0 : i32
    %dma_wait3A_76 = arith.constant 0 : i32
    %dma_wait3A_77 = tpu.memref_slice %arg2[%dma_wait3A_75, %dma_wait3A_76] : memref<8192x2048xf32, #tpu.memory_space<hbm>> -> memref<8x2048xf32, #tpu.memory_space<hbm>>
    %dma_wait3A_78 = arith.constant 0 : i32
    %dma_wait3A_79 = arith.constant 0 : i32
    %dma_wait3A_80 = tpu.memref_slice %arg2[%dma_wait3A_78, %dma_wait3A_79] : memref<8192x2048xf32, #tpu.memory_space<hbm>> -> memref<8x2048xf32, #tpu.memory_space<hbm>>
    tpu.wait_dma2 semaphore(%arg15 : memref<!tpu.dma_semaphore, #tpu.memory_space<semaphore_mem>>) src(%dma_wait3A_80 : memref<8x2048xf32, #tpu.memory_space<hbm>>) dst(%arg8 : memref<8x2048xf32, #tpu.memory_space<vmem>>)
    %add3A_81 = arith.constant 968 : i32
    %add3A_82 = arith.addi %mul3A_2, %add3A_81 : i32
    %dma_start3A_83 = arith.constant 0 : i32
    %dma_start3A_84 = tpu.memref_slice %arg4[%add3A_82, %dma_start3A_83] : memref<32768x2048xf32, #tpu.memory_space<hbm>> -> memref<8x2048xf32, #tpu.memory_space<hbm>>
    %dma_start3A_85 = arith.constant 0 : i32
    %dma_start3A_86 = tpu.memref_slice %arg4[%add3A_82, %dma_start3A_85] : memref<32768x2048xf32, #tpu.memory_space<hbm>> -> memref<8x2048xf32, #tpu.memory_space<hbm>>
    tpu.enqueue_dma source(%arg8 : memref<8x2048xf32, #tpu.memory_space<vmem>>) target(%dma_start3A_86 : memref<8x2048xf32, #tpu.memory_space<hbm>>) target_semaphore(%arg22 : memref<!tpu.dma_semaphore, #tpu.memory_space<semaphore_mem>>)
    %dma_wait3A_87 = arith.constant 0 : i32
    %dma_wait3A_88 = arith.constant 0 : i32
    %dma_wait3A_89 = tpu.memref_slice %arg4[%dma_wait3A_87, %dma_wait3A_88] : memref<32768x2048xf32, #tpu.memory_space<hbm>> -> memref<8x2048xf32, #tpu.memory_space<hbm>>
    %dma_wait3A_90 = arith.constant 0 : i32
    %dma_wait3A_91 = arith.constant 0 : i32
    %dma_wait3A_92 = tpu.memref_slice %arg4[%dma_wait3A_90, %dma_wait3A_91] : memref<32768x2048xf32, #tpu.memory_space<hbm>> -> memref<8x2048xf32, #tpu.memory_space<hbm>>
    tpu.wait_dma2 semaphore(%arg21 : memref<!tpu.dma_semaphore, #tpu.memory_space<semaphore_mem>>) src(%dma_wait3A_92 : memref<8x2048xf32, #tpu.memory_space<hbm>>) dst(%arg7 : memref<8x2048xf32, #tpu.memory_space<vmem>>)
    %dma_start3A_93 = arith.constant 1016 : i32
    %dma_start3A_94 = tpu.memref_slice %arg5[%dma_start3A_93] : memref<1024xi32, #tpu.memory_space<vmem>> -> memref<8xi32, #tpu.memory_space<vmem>>
    %dma_start3A_95 = arith.constant 0 : i32
    %dma_start3A_96 = arith.constant 0 : i32
    %dma_start3A_97 = tpu.memref_slice %arg2[%dma_start3A_95, %dma_start3A_96] : memref<8192x2048xf32, #tpu.memory_space<hbm>> -> memref<8192x2048xf32, #tpu.memory_space<hbm>>
    tpu.enqueue_indirect_dma source(%dma_start3A_97 : memref<8192x2048xf32, #tpu.memory_space<hbm>>) target(%arg7 : memref<8x2048xf32, #tpu.memory_space<vmem>>) offsets(%dma_start3A_94 : memref<8xi32, #tpu.memory_space<vmem>>) semaphore(%arg14 : memref<!tpu.dma_semaphore, #tpu.memory_space<semaphore_mem>>)
    %dma_wait3A_98 = arith.constant 0 : i32
    %dma_wait3A_99 = arith.constant 0 : i32
    %dma_wait3A_100 = tpu.memref_slice %arg2[%dma_wait3A_98, %dma_wait3A_99] : memref<8192x2048xf32, #tpu.memory_space<hbm>> -> memref<8x2048xf32, #tpu.memory_space<hbm>>
    %dma_wait3A_101 = arith.constant 0 : i32
    %dma_wait3A_102 = arith.constant 0 : i32
    %dma_wait3A_103 = tpu.memref_slice %arg2[%dma_wait3A_101, %dma_wait3A_102] : memref<8192x2048xf32, #tpu.memory_space<hbm>> -> memref<8x2048xf32, #tpu.memory_space<hbm>>
    tpu.wait_dma2 semaphore(%arg16 : memref<!tpu.dma_semaphore, #tpu.memory_space<semaphore_mem>>) src(%dma_wait3A_103 : memref<8x2048xf32, #tpu.memory_space<hbm>>) dst(%arg9 : memref<8x2048xf32, #tpu.memory_space<vmem>>)
    %add3A_104 = arith.constant 976 : i32
    %add3A_105 = arith.addi %mul3A_2, %add3A_104 : i32
    %dma_start3A_106 = arith.constant 0 : i32
    %dma_start3A_107 = tpu.memref_slice %arg4[%add3A_105, %dma_start3A_106] : memref<32768x2048xf32, #tpu.memory_space<hbm>> -> memref<8x2048xf32, #tpu.memory_space<hbm>>
    %dma_start3A_108 = arith.constant 0 : i32
    %dma_start3A_109 = tpu.memref_slice %arg4[%add3A_105, %dma_start3A_108] : memref<32768x2048xf32, #tpu.memory_space<hbm>> -> memref<8x2048xf32, #tpu.memory_space<hbm>>
    tpu.enqueue_dma source(%arg9 : memref<8x2048xf32, #tpu.memory_space<vmem>>) target(%dma_start3A_109 : memref<8x2048xf32, #tpu.memory_space<hbm>>) target_semaphore(%arg23 : memref<!tpu.dma_semaphore, #tpu.memory_space<semaphore_mem>>)
    %dma_wait3A_110 = arith.constant 0 : i32
    %dma_wait3A_111 = arith.constant 0 : i32
    %dma_wait3A_112 = tpu.memref_slice %arg2[%dma_wait3A_110, %dma_wait3A_111] : memref<8192x2048xf32, #tpu.memory_space<hbm>> -> memref<8x2048xf32, #tpu.memory_space<hbm>>
    %dma_wait3A_113 = arith.constant 0 : i32
    %dma_wait3A_114 = arith.constant 0 : i32
    %dma_wait3A_115 = tpu.memref_slice %arg2[%dma_wait3A_113, %dma_wait3A_114] : memref<8192x2048xf32, #tpu.memory_space<hbm>> -> memref<8x2048xf32, #tpu.memory_space<hbm>>
    tpu.wait_dma2 semaphore(%arg17 : memref<!tpu.dma_semaphore, #tpu.memory_space<semaphore_mem>>) src(%dma_wait3A_115 : memref<8x2048xf32, #tpu.memory_space<hbm>>) dst(%arg10 : memref<8x2048xf32, #tpu.memory_space<vmem>>)
    %add3A_116 = arith.constant 984 : i32
    %add3A_117 = arith.addi %mul3A_2, %add3A_116 : i32
    %dma_start3A_118 = arith.constant 0 : i32
    %dma_start3A_119 = tpu.memref_slice %arg4[%add3A_117, %dma_start3A_118] : memref<32768x2048xf32, #tpu.memory_space<hbm>> -> memref<8x2048xf32, #tpu.memory_space<hbm>>
    %dma_start3A_120 = arith.constant 0 : i32
    %dma_start3A_121 = tpu.memref_slice %arg4[%add3A_117, %dma_start3A_120] : memref<32768x2048xf32, #tpu.memory_space<hbm>> -> memref<8x2048xf32, #tpu.memory_space<hbm>>
    tpu.enqueue_dma source(%arg10 : memref<8x2048xf32, #tpu.memory_space<vmem>>) target(%dma_start3A_121 : memref<8x2048xf32, #tpu.memory_space<hbm>>) target_semaphore(%arg24 : memref<!tpu.dma_semaphore, #tpu.memory_space<semaphore_mem>>)
    %dma_wait3A_122 = arith.constant 0 : i32
    %dma_wait3A_123 = arith.constant 0 : i32
    %dma_wait3A_124 = tpu.memref_slice %arg2[%dma_wait3A_122, %dma_wait3A_123] : memref<8192x2048xf32, #tpu.memory_space<hbm>> -> memref<8x2048xf32, #tpu.memory_space<hbm>>
    %dma_wait3A_125 = arith.constant 0 : i32
    %dma_wait3A_126 = arith.constant 0 : i32
    %dma_wait3A_127 = tpu.memref_slice %arg2[%dma_wait3A_125, %dma_wait3A_126] : memref<8192x2048xf32, #tpu.memory_space<hbm>> -> memref<8x2048xf32, #tpu.memory_space<hbm>>
    tpu.wait_dma2 semaphore(%arg18 : memref<!tpu.dma_semaphore, #tpu.memory_space<semaphore_mem>>) src(%dma_wait3A_127 : memref<8x2048xf32, #tpu.memory_space<hbm>>) dst(%arg11 : memref<8x2048xf32, #tpu.memory_space<vmem>>)
    %add3A_128 = arith.constant 992 : i32
    %add3A_129 = arith.addi %mul3A_2, %add3A_128 : i32
    %dma_start3A_130 = arith.constant 0 : i32
    %dma_start3A_131 = tpu.memref_slice %arg4[%add3A_129, %dma_start3A_130] : memref<32768x2048xf32, #tpu.memory_space<hbm>> -> memref<8x2048xf32, #tpu.memory_space<hbm>>
    %dma_start3A_132 = arith.constant 0 : i32
    %dma_start3A_133 = tpu.memref_slice %arg4[%add3A_129, %dma_start3A_132] : memref<32768x2048xf32, #tpu.memory_space<hbm>> -> memref<8x2048xf32, #tpu.memory_space<hbm>>
    tpu.enqueue_dma source(%arg11 : memref<8x2048xf32, #tpu.memory_space<vmem>>) target(%dma_start3A_133 : memref<8x2048xf32, #tpu.memory_space<hbm>>) target_semaphore(%arg25 : memref<!tpu.dma_semaphore, #tpu.memory_space<semaphore_mem>>)
    %dma_wait3A_134 = arith.constant 0 : i32
    %dma_wait3A_135 = arith.constant 0 : i32
    %dma_wait3A_136 = tpu.memref_slice %arg2[%dma_wait3A_134, %dma_wait3A_135] : memref<8192x2048xf32, #tpu.memory_space<hbm>> -> memref<8x2048xf32, #tpu.memory_space<hbm>>
    %dma_wait3A_137 = arith.constant 0 : i32
    %dma_wait3A_138 = arith.constant 0 : i32
    %dma_wait3A_139 = tpu.memref_slice %arg2[%dma_wait3A_137, %dma_wait3A_138] : memref<8192x2048xf32, #tpu.memory_space<hbm>> -> memref<8x2048xf32, #tpu.memory_space<hbm>>
    tpu.wait_dma2 semaphore(%arg19 : memref<!tpu.dma_semaphore, #tpu.memory_space<semaphore_mem>>) src(%dma_wait3A_139 : memref<8x2048xf32, #tpu.memory_space<hbm>>) dst(%arg12 : memref<8x2048xf32, #tpu.memory_space<vmem>>)
    %add3A_140 = arith.constant 1000 : i32
    %add3A_141 = arith.addi %mul3A_2, %add3A_140 : i32
    %dma_start3A_142 = arith.constant 0 : i32
    %dma_start3A_143 = tpu.memref_slice %arg4[%add3A_141, %dma_start3A_142] : memref<32768x2048xf32, #tpu.memory_space<hbm>> -> memref<8x2048xf32, #tpu.memory_space<hbm>>
    %dma_start3A_144 = arith.constant 0 : i32
    %dma_start3A_145 = tpu.memref_slice %arg4[%add3A_141, %dma_start3A_144] : memref<32768x2048xf32, #tpu.memory_space<hbm>> -> memref<8x2048xf32, #tpu.memory_space<hbm>>
    tpu.enqueue_dma source(%arg12 : memref<8x2048xf32, #tpu.memory_space<vmem>>) target(%dma_start3A_145 : memref<8x2048xf32, #tpu.memory_space<hbm>>) target_semaphore(%arg26 : memref<!tpu.dma_semaphore, #tpu.memory_space<semaphore_mem>>)
    %dma_wait3A_146 = arith.constant 0 : i32
    %dma_wait3A_147 = arith.constant 0 : i32
    %dma_wait3A_148 = tpu.memref_slice %arg2[%dma_wait3A_146, %dma_wait3A_147] : memref<8192x2048xf32, #tpu.memory_space<hbm>> -> memref<8x2048xf32, #tpu.memory_space<hbm>>
    %dma_wait3A_149 = arith.constant 0 : i32
    %dma_wait3A_150 = arith.constant 0 : i32
    %dma_wait3A_151 = tpu.memref_slice %arg2[%dma_wait3A_149, %dma_wait3A_150] : memref<8192x2048xf32, #tpu.memory_space<hbm>> -> memref<8x2048xf32, #tpu.memory_space<hbm>>
    tpu.wait_dma2 semaphore(%arg13 : memref<!tpu.dma_semaphore, #tpu.memory_space<semaphore_mem>>) src(%dma_wait3A_151 : memref<8x2048xf32, #tpu.memory_space<hbm>>) dst(%arg6 : memref<8x2048xf32, #tpu.memory_space<vmem>>)
    %add3A_152 = arith.constant 1008 : i32
    %add3A_153 = arith.addi %mul3A_2, %add3A_152 : i32
    %dma_start3A_154 = arith.constant 0 : i32
    %dma_start3A_155 = tpu.memref_slice %arg4[%add3A_153, %dma_start3A_154] : memref<32768x2048xf32, #tpu.memory_space<hbm>> -> memref<8x2048xf32, #tpu.memory_space<hbm>>
    %dma_start3A_156 = arith.constant 0 : i32
    %dma_start3A_157 = tpu.memref_slice %arg4[%add3A_153, %dma_start3A_156] : memref<32768x2048xf32, #tpu.memory_space<hbm>> -> memref<8x2048xf32, #tpu.memory_space<hbm>>
    tpu.enqueue_dma source(%arg6 : memref<8x2048xf32, #tpu.memory_space<vmem>>) target(%dma_start3A_157 : memref<8x2048xf32, #tpu.memory_space<hbm>>) target_semaphore(%arg20 : memref<!tpu.dma_semaphore, #tpu.memory_space<semaphore_mem>>)
    %dma_wait3A_158 = arith.constant 0 : i32
    %dma_wait3A_159 = arith.constant 0 : i32
    %dma_wait3A_160 = tpu.memref_slice %arg2[%dma_wait3A_158, %dma_wait3A_159] : memref<8192x2048xf32, #tpu.memory_space<hbm>> -> memref<8x2048xf32, #tpu.memory_space<hbm>>
    %dma_wait3A_161 = arith.constant 0 : i32
    %dma_wait3A_162 = arith.constant 0 : i32
    %dma_wait3A_163 = tpu.memref_slice %arg2[%dma_wait3A_161, %dma_wait3A_162] : memref<8192x2048xf32, #tpu.memory_space<hbm>> -> memref<8x2048xf32, #tpu.memory_space<hbm>>
    tpu.wait_dma2 semaphore(%arg14 : memref<!tpu.dma_semaphore, #tpu.memory_space<semaphore_mem>>) src(%dma_wait3A_163 : memref<8x2048xf32, #tpu.memory_space<hbm>>) dst(%arg7 : memref<8x2048xf32, #tpu.memory_space<vmem>>)
    %add3A_164 = arith.constant 1016 : i32
    %add3A_165 = arith.addi %mul3A_2, %add3A_164 : i32
    %dma_start3A_166 = arith.constant 0 : i32
    %dma_start3A_167 = tpu.memref_slice %arg4[%add3A_165, %dma_start3A_166] : memref<32768x2048xf32, #tpu.memory_space<hbm>> -> memref<8x2048xf32, #tpu.memory_space<hbm>>
    %dma_start3A_168 = arith.constant 0 : i32
    %dma_start3A_169 = tpu.memref_slice %arg4[%add3A_165, %dma_start3A_168] : memref<32768x2048xf32, #tpu.memory_space<hbm>> -> memref<8x2048xf32, #tpu.memory_space<hbm>>
    tpu.enqueue_dma source(%arg7 : memref<8x2048xf32, #tpu.memory_space<vmem>>) target(%dma_start3A_169 : memref<8x2048xf32, #tpu.memory_space<hbm>>) target_semaphore(%arg21 : memref<!tpu.dma_semaphore, #tpu.memory_space<semaphore_mem>>)
    %dma_wait3A_170 = arith.constant 0 : i32
    %dma_wait3A_171 = arith.constant 0 : i32
    %dma_wait3A_172 = tpu.memref_slice %arg4[%dma_wait3A_170, %dma_wait3A_171] : memref<32768x2048xf32, #tpu.memory_space<hbm>> -> memref<8x2048xf32, #tpu.memory_space<hbm>>
    %dma_wait3A_173 = arith.constant 0 : i32
    %dma_wait3A_174 = arith.constant 0 : i32
    %dma_wait3A_175 = tpu.memref_slice %arg4[%dma_wait3A_173, %dma_wait3A_174] : memref<32768x2048xf32, #tpu.memory_space<hbm>> -> memref<8x2048xf32, #tpu.memory_space<hbm>>
    tpu.wait_dma2 semaphore(%arg22 : memref<!tpu.dma_semaphore, #tpu.memory_space<semaphore_mem>>) src(%dma_wait3A_175 : memref<8x2048xf32, #tpu.memory_space<hbm>>) dst(%arg8 : memref<8x2048xf32, #tpu.memory_space<vmem>>)
    %dma_wait3A_176 = arith.constant 0 : i32
    %dma_wait3A_177 = arith.constant 0 : i32
    %dma_wait3A_178 = tpu.memref_slice %arg4[%dma_wait3A_176, %dma_wait3A_177] : memref<32768x2048xf32, #tpu.memory_space<hbm>> -> memref<8x2048xf32, #tpu.memory_space<hbm>>
    %dma_wait3A_179 = arith.constant 0 : i32
    %dma_wait3A_180 = arith.constant 0 : i32
    %dma_wait3A_181 = tpu.memref_slice %arg4[%dma_wait3A_179, %dma_wait3A_180] : memref<32768x2048xf32, #tpu.memory_space<hbm>> -> memref<8x2048xf32, #tpu.memory_space<hbm>>
    tpu.wait_dma2 semaphore(%arg23 : memref<!tpu.dma_semaphore, #tpu.memory_space<semaphore_mem>>) src(%dma_wait3A_181 : memref<8x2048xf32, #tpu.memory_space<hbm>>) dst(%arg9 : memref<8x2048xf32, #tpu.memory_space<vmem>>)
    %dma_wait3A_182 = arith.constant 0 : i32
    %dma_wait3A_183 = arith.constant 0 : i32
    %dma_wait3A_184 = tpu.memref_slice %arg4[%dma_wait3A_182, %dma_wait3A_183] : memref<32768x2048xf32, #tpu.memory_space<hbm>> -> memref<8x2048xf32, #tpu.memory_space<hbm>>
    %dma_wait3A_185 = arith.constant 0 : i32
    %dma_wait3A_186 = arith.constant 0 : i32
    %dma_wait3A_187 = tpu.memref_slice %arg4[%dma_wait3A_185, %dma_wait3A_186] : memref<32768x2048xf32, #tpu.memory_space<hbm>> -> memref<8x2048xf32, #tpu.memory_space<hbm>>
    tpu.wait_dma2 semaphore(%arg24 : memref<!tpu.dma_semaphore, #tpu.memory_space<semaphore_mem>>) src(%dma_wait3A_187 : memref<8x2048xf32, #tpu.memory_space<hbm>>) dst(%arg10 : memref<8x2048xf32, #tpu.memory_space<vmem>>)
    %dma_wait3A_188 = arith.constant 0 : i32
    %dma_wait3A_189 = arith.constant 0 : i32
    %dma_wait3A_190 = tpu.memref_slice %arg4[%dma_wait3A_188, %dma_wait3A_189] : memref<32768x2048xf32, #tpu.memory_space<hbm>> -> memref<8x2048xf32, #tpu.memory_space<hbm>>
    %dma_wait3A_191 = arith.constant 0 : i32
    %dma_wait3A_192 = arith.constant 0 : i32
    %dma_wait3A_193 = tpu.memref_slice %arg4[%dma_wait3A_191, %dma_wait3A_192] : memref<32768x2048xf32, #tpu.memory_space<hbm>> -> memref<8x2048xf32, #tpu.memory_space<hbm>>
    tpu.wait_dma2 semaphore(%arg25 : memref<!tpu.dma_semaphore, #tpu.memory_space<semaphore_mem>>) src(%dma_wait3A_193 : memref<8x2048xf32, #tpu.memory_space<hbm>>) dst(%arg11 : memref<8x2048xf32, #tpu.memory_space<vmem>>)
    %dma_wait3A_194 = arith.constant 0 : i32
    %dma_wait3A_195 = arith.constant 0 : i32
    %dma_wait3A_196 = tpu.memref_slice %arg4[%dma_wait3A_194, %dma_wait3A_195] : memref<32768x2048xf32, #tpu.memory_space<hbm>> -> memref<8x2048xf32, #tpu.memory_space<hbm>>
    %dma_wait3A_197 = arith.constant 0 : i32
    %dma_wait3A_198 = arith.constant 0 : i32
    %dma_wait3A_199 = tpu.memref_slice %arg4[%dma_wait3A_197, %dma_wait3A_198] : memref<32768x2048xf32, #tpu.memory_space<hbm>> -> memref<8x2048xf32, #tpu.memory_space<hbm>>
    tpu.wait_dma2 semaphore(%arg26 : memref<!tpu.dma_semaphore, #tpu.memory_space<semaphore_mem>>) src(%dma_wait3A_199 : memref<8x2048xf32, #tpu.memory_space<hbm>>) dst(%arg12 : memref<8x2048xf32, #tpu.memory_space<vmem>>)
    %dma_wait3A_200 = arith.constant 0 : i32
    %dma_wait3A_201 = arith.constant 0 : i32
    %dma_wait3A_202 = tpu.memref_slice %arg4[%dma_wait3A_200, %dma_wait3A_201] : memref<32768x2048xf32, #tpu.memory_space<hbm>> -> memref<8x2048xf32, #tpu.memory_space<hbm>>
    %dma_wait3A_203 = arith.constant 0 : i32
    %dma_wait3A_204 = arith.constant 0 : i32
    %dma_wait3A_205 = tpu.memref_slice %arg4[%dma_wait3A_203, %dma_wait3A_204] : memref<32768x2048xf32, #tpu.memory_space<hbm>> -> memref<8x2048xf32, #tpu.memory_space<hbm>>
    tpu.wait_dma2 semaphore(%arg20 : memref<!tpu.dma_semaphore, #tpu.memory_space<semaphore_mem>>) src(%dma_wait3A_205 : memref<8x2048xf32, #tpu.memory_space<hbm>>) dst(%arg6 : memref<8x2048xf32, #tpu.memory_space<vmem>>)
    %dma_wait3A_206 = arith.constant 0 : i32
    %dma_wait3A_207 = arith.constant 0 : i32
    %dma_wait3A_208 = tpu.memref_slice %arg4[%dma_wait3A_206, %dma_wait3A_207] : memref<32768x2048xf32, #tpu.memory_space<hbm>> -> memref<8x2048xf32, #tpu.memory_space<hbm>>
    %dma_wait3A_209 = arith.constant 0 : i32
    %dma_wait3A_210 = arith.constant 0 : i32
    %dma_wait3A_211 = tpu.memref_slice %arg4[%dma_wait3A_209, %dma_wait3A_210] : memref<32768x2048xf32, #tpu.memory_space<hbm>> -> memref<8x2048xf32, #tpu.memory_space<hbm>>
    tpu.wait_dma2 semaphore(%arg21 : memref<!tpu.dma_semaphore, #tpu.memory_space<semaphore_mem>>) src(%dma_wait3A_211 : memref<8x2048xf32, #tpu.memory_space<hbm>>) dst(%arg7 : memref<8x2048xf32, #tpu.memory_space<vmem>>)
    return
  }
}

</mosaic_0001>

<sc_bundles>
// kernel: kernel.3.cloned.1.call-start
scs
__scs_entry_jumppad:
0x0: {  	(pc) =	sbr.rel $0x88, $3  }
0x1: {  	(tag) =	ssettag $0x0;
	lr =	simm.s32 $0x1  }
0x2: {  	[smem:$0x3F9F] =	sst lr;
	_ =	strace $0xD0000000  }
0x3: {  	_ = 	snop  }
0x4: {  	_ = 	snop  }
0x5: {  	_ = 	snop  }
0x6: {  	_ = 	snop  }
0x7: {  	_ = 	snop  }
__scs_overlays_trampoline_lowered:
0x8: {  	[smem:$0x3FAE] =	sst s0  }
0x9: {  	[smem:$0x3FAF] =	sst s1  }
0xa: {  	[smem:$0x3FB0] =	sst s2  }
0xb: {  	[smem:$0x3FB1] =	sst s3  }
0xc: {  	[smem:$0x3FB2] =	sst s4  }
0xd: {  	[smem:$0x3FB3] =	sst s5  }
0xe: {  	[smem:$0x3FB4] =	sst s6  }
0xf: {  	[smem:$0x3FB5] =	sst s7  }
0x10: {  	[smem:$0x3FB6] =	sst s8  }
0x11: {  	[smem:$0x3FB7] =	sst s9;
	s0 =	simm.s32 @!p0 $0x0  }
0x12: {  	s1 =	sld [smem:$0x3F9D];
	s0 =	simm.s32 @p0 $0x1  }
0x13: {  	[smem:$0x3FB8] =	sst s0;
	s0 =	simm.s32 @!p1 $0x0  }
0x14: {  	s2 =	sld [smem:$0x3F9C];
	s0 =	simm.s32 @p1 $0x1  }
0x15: {  	[smem:$0x3FB9] =	sst s0;
	s0 =	simm.s32 @!p2 $0x0  }
0x16: {  	s3 =	sld [smem:$0x3FDB];
	s0 =	simm.s32 @p2 $0x1  }
0x17: {  	s4 =	simm.s32 $0x1BF5;
	[smem:$0x3FBB] =	sst s0  }
0x18: {  	s0 =	sld [smem:$0x3F9E];
	_ =	swait.ge [sflag:s4], $0x0  }
0x19: {  	s7 =	sld [smem:$0x3F9F]  }
0x1a: {  	s8 =	sadd.s32 $0xFFFFE003, lr  }
0x1b: {  	s9 =	sadd.s32 $0xFFFFFEF7, lr;
	s5 =	simm.s32 $0xFFFFFFFF;
	p2 =	slt.u32 s8, $0xFFFFF086  }
0x1c: {  	p1 =	slt.u32 s9, $0xF7A;
	s5 =	simm.s32 @!p2 $0x0  }
0x1d: {  	s5 =	simm.s32 @p1 $0x1;
	p0 =	seq.s32 s7, s2  }
0x1e: {  	s7 =	smul.u32 @!p0 $0xF7A, s2;
	p2 =	seq.s32 @!p0 s5, $0x0  }
0x1f: {  	s9 =	smul.u32 $0xF7A, s1;
	s8 =	simm.s32 @!p0 $0x1BF5;
	p2 =	por !p2, p0  }
0x20: {  	[sflag:s8] =	ssyncset.s32 @!p0 $0xFFFFF086;
	s6 =	sadd.s32 @!p0 s3, s7;
	s7 =	simm.s32 @!p0 $0x108  }
0x21: {  	s3 =	sadd.s32 s3, s9;
	s6 =	sadd.s32 @!p0 $0x88, s6;
	s7 =	simm.s32 @p2 $0x1082  }
0x22: {  	[simem:s7], [sflag:s8] =	dma.local @!p0 [hbm:s6], $0xF7A  }
0x23: {  	s9 =	sor.u32 $0xD0000000, s2;
	s6 =	simm.s32 $0x108;
	_ =	swait.ge @!p0 [sflag:s8], $0x0  }
0x24: {  	s3 =	sadd.s32 $0x88, s3;
	s6 =	simm.s32 @!p1 $0x1082;
	[sflag:s4] =	ssyncset.s32 $0xFFFFF086  }
0x25: {  	[simem:s6], [sflag:s4] =	dma.local [hbm:s3], $0xF7A  }
0x26: {  	[smem:$0x3F9F] =	sst s1;
	(tag) =	ssettag s2;
	_ =	strace s9  }
0x27: {  	s1 =	sld [smem:$0x3FAF]  }
0x28: {  	s2 =	sld [smem:$0x3FB0]  }
0x29: {  	s4 =	sld [smem:$0x3FB2]  }
0x2a: {  	p0 =	seq.s32 s5, $0x0;
	s5 =	sld [smem:$0x3FB3]  }
0x2b: {  	s6 =	sld [smem:$0x3FB4]  }
0x2c: {  	s7 =	sld [smem:$0x3FB5]  }
0x2d: {  	s3 =	simm.s32 $0x108;
	s8 =	sld [smem:$0x3FB6]  }
0x2e: {  	s3 =	simm.s32 @!p0 $0x1082;
	s9 =	sld [smem:$0x3FB7]  }
0x2f: {  	lr =	sadd.s32 s0, s3;
	s0 =	sld [smem:$0x3FAE]  }
0x30: {  	s3 =	sld [smem:$0x3FB1]  }
0x31: {  	[smem:$0x3FBA] =	sst s10  }
0x32: {  	s10 =	sld [smem:$0x3FB8];
	_ =	sdelay $0x3  }
0x33: {  	p0 =	seq.s32 s10, $0x1;
	s10 =	sld [smem:$0x3FBA];
	_ =	sdelay $0x3  }
0x34: {  	[smem:$0x3FBA] =	sst s10  }
0x35: {  	s10 =	sld [smem:$0x3FB9];
	_ =	sdelay $0x3  }
0x36: {  	p1 =	seq.s32 s10, $0x1;
	s10 =	sld [smem:$0x3FBA];
	_ =	sdelay $0x3  }
0x37: {  	[smem:$0x3FBA] =	sst s10  }
0x38: {  	s10 =	sld [smem:$0x3FBB]  }
0x39: {  	_ = 	snop;
	(pc) =	sbr.ind lr, $3  }
0x3a: {  	_ = 	snop  }
0x3b: {  	_ = 	snop  }
0x3c: {  	p2 =	seq.s32 s10, $0x1;
	s10 =	sld [smem:$0x3FBA]  }
0x3d: {  	_ =	shalt  }
0x3e: {  	_ =	shalt  }
0x3f: {  	_ =	shalt  }
0x40: {  	_ =	shalt  }
0x41: {  	_ =	shalt  }
0x42: {  	_ =	shalt  }
0x43: {  	_ =	shalt  }
0x44: {  	_ =	shalt  }
0x45: {  	_ =	shalt  }
0x46: {  	_ =	shalt  }
0x47: {  	_ =	shalt  }
0x48: {  	_ =	shalt  }
0x49: {  	_ =	shalt  }
0x4a: {  	_ =	shalt  }
0x4b: {  	_ =	shalt  }
0x4c: {  	_ =	shalt  }
0x4d: {  	_ =	shalt  }
0x4e: {  	_ =	shalt  }
0x4f: {  	_ =	shalt  }
0x50: {  	_ =	shalt  }
0x51: {  	_ =	shalt  }
0x52: {  	_ =	shalt  }
0x53: {  	_ =	shalt  }
0x54: {  	_ =	shalt  }
0x55: {  	_ =	shalt  }
0x56: {  	_ =	shalt  }
0x57: {  	_ =	shalt  }
0x58: {  	_ =	shalt  }
0x59: {  	_ =	shalt  }
0x5a: {  	_ =	shalt  }
0x5b: {  	_ =	shalt  }
0x5c: {  	_ =	shalt  }
0x5d: {  	_ =	shalt  }
0x5e: {  	_ =	shalt  }
0x5f: {  	_ =	shalt  }
0x60: {  	_ =	shalt  }
0x61: {  	_ =	shalt  }
0x62: {  	_ =	shalt  }
0x63: {  	_ =	shalt  }
0x64: {  	_ =	shalt  }
0x65: {  	_ =	shalt  }
0x66: {  	_ =	shalt  }
0x67: {  	_ =	shalt  }
0x68: {  	_ =	shalt  }
0x69: {  	_ =	shalt  }
0x6a: {  	_ =	shalt  }
0x6b: {  	_ =	shalt  }
0x6c: {  	_ =	shalt  }
0x6d: {  	_ =	shalt  }
0x6e: {  	_ =	shalt  }
0x6f: {  	_ =	shalt  }
0x70: {  	_ =	shalt  }
0x71: {  	_ =	shalt  }
0x72: {  	_ =	shalt  }
0x73: {  	_ =	shalt  }
0x74: {  	_ =	shalt  }
0x75: {  	_ =	shalt  }
0x76: {  	_ =	shalt  }
0x77: {  	_ =	shalt  }
0x78: {  	_ =	shalt  }
0x79: {  	_ =	shalt  }
0x7a: {  	_ =	shalt  }
0x7b: {  	_ =	shalt  }
0x7c: {  	_ =	shalt  }
0x7d: {  	_ =	shalt  }
0x7e: {  	_ =	shalt  }
0x7f: {  	_ =	shalt  }
0x80: {  	_ =	shalt  }
0x81: {  	_ =	shalt  }
0x82: {  	_ =	shalt  }
0x83: {  	_ =	shalt  }
0x84: {  	_ =	shalt  }
0x85: {  	_ =	shalt  }
0x86: {  	_ =	shalt  }
0x87: {  	_ =	shalt  }
.Lfunc_end0:
.L_simem_size_0:
called_computation_lowered:
.L_overlay_start_0:
0x88: {  	s2 =	sld [smem:$0x3FD9]  }
0x89: {  	s3 =	sld [smem:$0x3FFE];
	_ =	sdelay $0x1  }
0x8a: {  	s1 =	srdreg.scid  }
0x8b: {  	s0 =	sand.u32 $0x1, s1  }
0x8c: {  	s17 =	sshll.u32 s0, $0xA;
	s2 =	sadd.s32 s3, s2  }
0x8d: {  	s2 =	sadd.s32 s2, s17  }
0x8e: {  	[smem:$0x3FC6] =	sst s2  }
0x8f: {  	_ = 	snop  }
0x90: {  	s2 =	sld [smem:$0x3FC8]  }
0x91: {  	s18 =	sld [smem:$0x3FD0];
	(tm) =	ssettm $0x1  }
0x92: {  	s4 =	sld [smem:$0x3FFB];
	_ =	sdelay $0x3  }
0x93: {  	_ =	strace s4  }
0x94: {  	s4 =	sld [smem:$0x3FFC];
	_ =	sdelay $0x3  }
0x95: {  	_ =	strace s4  }
0x96: {  	s4 =	sld [smem:$0x3FFD];
	_ =	sdelay $0x3  }
0x97: {  	_ =	strace s4  }
0x98: {  	_ =	strace $0x8FFFFFFF  }
0x99: {  	s19 =	sld [smem:$0x3FDB];
	_ =	sdelay $0x1  }
0x9a: {  	s5 =	simm.s32 $_scs_section_size  }
0x9b: {  	s6 =	simm.s32 $_size__tile_overlayer_lowered;
	s7 =	simm.s32 $_tile_overlayer_lowered  }
0x9c: {  	s22 =	simm.s32 $0x1BFF;
	s21 =	sshll.u32 s7, $0x1;
	s4 =	sadd.s32 s5, s19  }
0x9d: {  	s8 =	simm.s32 $0x0;
	s20 =	sshll.u32 s6, $0x1;
	s6 =	sadd.s32 s21, s4  }
0x9e: {  	[timem:s8], [sflag:s22] =	dma.local [hbm:s6], s20  }
0x9f: {  	_ =	swait.ge [sflag:s22], s20  }
0xa0: {  	s5 =	ssub.s32 $0x0, s20;
	[sflag:s22] =	ssyncset.done $0x0  }
0xa1: {  	[sflag:s22] =	ssyncadd.s32 s5;
	_ =	sdelay $0x1  }
0xa2: {  	s23 =	simm.s32 $0x1B8B  }
0xa3: {  	_ =	swait.ge [sflag:s23], $0x1  }
0xa4: {  	[sflag:s23] =	ssyncset.done $0x0  }
0xa5: {  	s25 =	simm.s32 $0x1B8E;
	s24 =	sld [smem:$0x3FFE];
	[sflag:s23] =	ssyncadd.s32 $0xFFFFFFFF  }
0xa6: {  	s26 =	simm.s32 $execute0_lowered;
	[smem:$0x3FD2] =	sst s25  }
0xa7: {  	s6 =	sshll.u32 s26, $0x1;
	_ =	strace $0x80000046;
	[dreg:$0x1] =	wrdreg $0xFFFFFFFF  }
0xa8: {  	s28 =	simm.s32 $_size_execute0_lowered;
	s4 =	sadd.s32 s4, s6;
	[dreg:$0x0] =	wrdreg $0x0  }
0xa9: {  	s6 =	sshll.u32 s28, $0x1;
	[dreg:$0x2] =	wrdreg s4  }
0xaa: {  	[dreg:$0x3] =	wrdreg s6  }
0xab: {  	[dreg:$0x4] =	wrdreg $0xC0  }
0xac: {  	_ =	task [dreg:s8], $0x5FFFF  }
0xad: {  	[dreg:$0x1] =	wrdreg $0xFFFFFFFF  }
0xae: {  	[dreg:$0x0] =	wrdreg $0x60  }
0xaf: {  	[dreg:$0x2] =	wrdreg s2  }
0xb0: {  	[dreg:$0x3] =	wrdreg s24  }
0xb1: {  	[dreg:$0x4] =	wrdreg s18  }
0xb2: {  	[dreg:$0x5] =	wrdreg $0x9  }
0xb3: {  	_ =	task.clear_ibuf [dreg:s8], $0x6FFFF;
	_ =	strace $0x90000046  }
0xb4: {  	s29 =	simm.s32 $0x9;
	_ =	strace $0x80000048  }
0xb5: {  	_ =	swait.ge [sflag:s29], $0x1  }
0xb6: {  	[sflag:s29] =	ssyncadd.s32 $0xFFFFFFFF  }
0xb7: {  	_ =	strace $0x90000048  }
0xb8: {  	_ =	sfence  }
0xb9: {  	s30 =	sld [smem:$0x0];
	_ =	sdelay $0x2  }
0xba: {  	s31 =	sshll.u32 s1, $0xD;
	s1 =	sshrl.u32 s1, $0x2  }
0xbb: {  	s3 =	sand.u32 $0x4000, s31;
	s1 =	sadd.s32 s1, s30  }
0xbc: {  	s0 =	sor.u32 s3, s0;
	s1 =	sshll.u32 s1, $0x11  }
0xbd: {  	s0 =	sor.u32 s1, s0  }
0xbe: {  	s0 =	sadd.s32 $0x8F2B, s0  }
0xbf: {  	[sflag:s0] =	ssyncadd.remote.s32 $0x1  }
0xc0: {  	_ =	sfence.sel $0xFFFF  }
0xc1: {  	[dreg:$0x0] =	wrdreg $0xFFFFFFFF;
	(pc) =	sbr.abs _section_cstart, $3  }
0xc2: {  	[dreg:$0x1] =	wrdreg $0xFFFFFFFF  }
0xc3: {  	_ =	task.clear_ibuf [dreg:s8], $0x2FFFF;
	_ =	strace $0x9FFFFFFF  }
0xc4: {  	(tm) =	ssettm $0x7FFFFFFF  }
0xc5: {  	_ =	shalt  }
tec
execute0_lowered:
.L_overlay_start_1:
0x0: {  	(tag) =	ssettag $0x1  }
0x1: {  	s2 =	rddreg [dreg:$0x0]  }
0x2: {  	s0 =	rddreg [dreg:$0x1];
	s1 =	srdreg.scid  }
0x3: {  	s4 =	rddreg [dreg:$0x2];
	s13 =	stileid.u32;
	s3 =	simm.s32 $0x0  }
0x4: {  	s31 =	simm.s32 $0x8400;
	s30 =	simm.s32 $0x10400;
	s29 =	simm.s32 $0x10C00  }
0x5: {  	s28 =	simm.s32 $0x5;
	s15 =	simm.s32 $0x2;
	s1 =	sand.u32 $0x1, s1  }
0x6: {  	s5 =	sshll.u32 s13, $0xB;
	[smem:$0x7FF] =	sst s3;
	s8 =	sadd.s32 $0x400, s2  }
0x7: {  	s10 =	sadd.s32 $0x600, s2;
	s12 =	sadd.s32 $0x700, s2;
	s21 =	sshll.u32 s13, $0x13  }
0x8: {  	s13 =	simm.s32 $0xB;
	s6 =	sshll.u32 s1, $0xA;
	s16 =	ssub.s32 $0x2, s1  }
0x9: {  	_ =	strace $0x80000047;
	s1 =	sshll.u32 s1, $0x12;
	s9 =	sor.u32 s6, s5  }
0xa: {  	s7 =	sshrl.u32 s16, $0x1;
	s5 =	sadd.s32 $0x100, s2;
	s17 =	sshll.u32 s9, $0x8  }
0xb: {  	s6 =	sshrl.u32 s9, $0x3;
	s11 =	ssub.s32 s16, s7;
	s14 =	sadd.s32 s4, s17  }
0xc: {  	s0 =	sadd.s32 s6, s0;
	s26 =	smax.u32 s11, $0x1;
	[dreg:$0x6] =	wrdreg s14  }
0xd: {  	s7 =	sadd.s32 $0x300, s2;
	s0 =	sadd.s32 $0x400, s0;
	[dreg:$0xf] =	wrdreg s26  }
0xe: {  	s9 =	sadd.s32 $0x500, s2;
	s18 =	sadd.s32 $0x3C800, s14;
	[dreg:$0x5] =	wrdreg s0  }
0xf: {  	s16 =	simm.s32 $0x7;
	s19 =	sadd.s32 $0x3D000, s14;
	[dreg:$0x8] =	wrdreg s18  }
0x10: {  	s6 =	sadd.s32 $0x200, s2;
	s20 =	sadd.s32 $0x3D800, s14;
	[dreg:$0x9] =	wrdreg s19  }
0x11: {  	s11 =	simm.s32 $0xC400;
	s22 =	sadd.s32 $0x3E000, s14;
	[dreg:$0xa] =	wrdreg s20  }
0x12: {  	s17 =	simm.s32 $0x14400;
	s23 =	sadd.s32 $0x3E800, s14;
	[dreg:$0xb] =	wrdreg s22  }
0x13: {  	s24 =	sadd.s32 $0x3F000, s14;
	s25 =	sadd.s32 $0x3F800, s14;
	[dreg:$0xc] =	wrdreg s23  }
0x14: {  	s26 =	simm.s32 $0xA400;
	s0 =	sadd.s32 $0x3C000, s14;
	[dreg:$0xd] =	wrdreg s24  }
0x15: {  	[dreg:$0xe] =	wrdreg s25;
	s14 =	simm.s32 $0x8C00;
	s18 =	simm.s32 $0x9400  }
0x16: {  	s23 =	simm.s32 $0x9C00;
	s20 =	simm.s32 $0xCC00;
	s19 =	simm.s32 $0x18400  }
0x17: {  	v0 =	vlaneseq.u32;
	s22 =	simm.s32 $0x18C00;
	[dreg:$0x7] =	wrdreg s0;
	s0 =	sadd.s32 s21, s4  }
0x18: {  	v1 =	vshrl.u32 v0, $0x3;
	s25 =	simm.s32 $0xA;
	s21 =	simm.s32 $0x14C00;
	s0 =	sadd.s32 s1, s0  }
0x19: {  	vm0 =	vmmov $0xffff;
	v0 =	vand.u32 $0x7, v0;
	v1 =	vmul.u32 $0x8, v1;
	s4 =	simm.s32 $0x6;
	s1 =	simm.s32 $0x0;
	[dreg:$0x4] =	wrdreg s0  }
.LBB2_1:
0x1a: {  	[dreg:$0x10] =	wrdreg s1  }
0x1b: {  	s0 =	rddreg [dreg:$0x5];
	s1 =	simm.s32 $0xF  }
0x1c: {  	[tilespmem:s3], [sflag:$0xF] =	stream.linear.gather [hbm4b:s0+s3], $0x400, $0x38;
	[tilespmem:$0x1C400] =	vst v63  }
0x1d: {  	_ =	swait.ge [sflag:s1], $0x400  }
0x1e: {  	[sflag:s1] =	ssyncset.done $0x0  }
0x1f: {  	[sflag:s1] =	ssyncadd.s32 $0xFFFFFC00  }
0x20: {  	v2 =	vld.msk [tilespmem:$0x0], $0xff;
	_ =	sdelay $0x4  }
0x21: {  	v3 =	vshll.u32 v2, $0x4  }
0x22: {  	v2 =	vand.u32 $0x7, v2;
	v3 =	vand.u32 $0xFFFFFF80, v3  }
0x23: {  	v2 =	vor.u32 v2, v3  }
0x24: {  	v2 =	vperm.xlane v2, v0;
	_ =	sdelay $0x1  }
0x25: {  	v2 =	vadd.s32 v1, v2;
	_ =	sdelay $0x3  }
0x26: {  	s1 =	simm.s32 $0x400  }
0x27: {  	[tilespmem:s1], [sflag:$0x1] =	stream.indirect_vreg.gather [hbm4b:s2+s3], $0x80, v2, vm0, $0xb8;
	[tilespmem:$0x1C400] =	vst v63  }
0x28: {  	s24 =	simm.s32 $0xC00  }
0x29: {  	[tilespmem:s24], [sflag:$0x1] =	stream.indirect_vreg.gather [hbm4b:s5+s3], $0x80, v2, vm0, $0xb8;
	[tilespmem:$0x1C400] =	vst v63  }
0x2a: {  	s24 =	simm.s32 $0x1400  }
0x2b: {  	[tilespmem:s24], [sflag:$0x1] =	stream.indirect_vreg.gather [hbm4b:s6+s3], $0x80, v2, vm0, $0xb8;
	[tilespmem:$0x1C400] =	vst v63  }
0x2c: {  	s24 =	simm.s32 $0x1C00  }
0x2d: {  	[tilespmem:s24], [sflag:$0x1] =	stream.indirect_vreg.gather [hbm4b:s7+s3], $0x80, v2, vm0, $0xb8;
	[tilespmem:$0x1C400] =	vst v63  }
0x2e: {  	s24 =	simm.s32 $0x2400  }
0x2f: {  	[tilespmem:s24], [sflag:$0x1] =	stream.indirect_vreg.gather [hbm4b:s8+s3], $0x80, v2, vm0, $0xb8;
	[tilespmem:$0x1C400] =	vst v63  }
0x30: {  	s24 =	simm.s32 $0x2C00  }
0x31: {  	[tilespmem:s24], [sflag:$0x1] =	stream.indirect_vreg.gather [hbm4b:s9+s3], $0x80, v2, vm0, $0xb8;
	[tilespmem:$0x1C400] =	vst v63  }
0x32: {  	s24 =	simm.s32 $0x3400  }
0x33: {  	[tilespmem:s24], [sflag:$0x1] =	stream.indirect_vreg.gather [hbm4b:s10+s3], $0x80, v2, vm0, $0xb8;
	[tilespmem:$0x1C400] =	vst v63  }
0x34: {  	s24 =	simm.s32 $0x3C00  }
0x35: {  	[tilespmem:s24], [sflag:$0x1] =	stream.indirect_vreg.gather [hbm4b:s12+s3], $0x80, v2, vm0, $0xb8;
	[tilespmem:$0x1C400] =	vst v63  }
0x36: {  	v2 =	vld.msk [tilespmem:$0x8], $0xff;
	_ =	sdelay $0x4  }
0x37: {  	v3 =	vshll.u32 v2, $0x4  }
0x38: {  	v2 =	vand.u32 $0x7, v2;
	v3 =	vand.u32 $0xFFFFFF80, v3  }
0x39: {  	v2 =	vor.u32 v2, v3  }
0x3a: {  	v2 =	vperm.xlane v2, v0;
	_ =	sdelay $0x1  }
0x3b: {  	v2 =	vadd.s32 v1, v2;
	_ =	sdelay $0x3  }
0x3c: {  	s24 =	simm.s32 $0x4400  }
0x3d: {  	[tilespmem:s24], [sflag:$0x2] =	stream.indirect_vreg.gather [hbm4b:s2+s3], $0x80, v2, vm0, $0xb8;
	[tilespmem:$0x1C400] =	vst v63  }
0x3e: {  	s24 =	simm.s32 $0x4C00  }
0x3f: {  	[tilespmem:s24], [sflag:$0x2] =	stream.indirect_vreg.gather [hbm4b:s5+s3], $0x80, v2, vm0, $0xb8;
	[tilespmem:$0x1C400] =	vst v63  }
0x40: {  	s24 =	simm.s32 $0x5400  }
0x41: {  	[tilespmem:s24], [sflag:$0x2] =	stream.indirect_vreg.gather [hbm4b:s6+s3], $0x80, v2, vm0, $0xb8;
	[tilespmem:$0x1C400] =	vst v63  }
0x42: {  	s24 =	simm.s32 $0x5C00  }
0x43: {  	[tilespmem:s24], [sflag:$0x2] =	stream.indirect_vreg.gather [hbm4b:s7+s3], $0x80, v2, vm0, $0xb8;
	[tilespmem:$0x1C400] =	vst v63  }
0x44: {  	s24 =	simm.s32 $0x6400  }
0x45: {  	[tilespmem:s24], [sflag:$0x2] =	stream.indirect_vreg.gather [hbm4b:s8+s3], $0x80, v2, vm0, $0xb8;
	[tilespmem:$0x1C400] =	vst v63  }
0x46: {  	s24 =	simm.s32 $0x6C00  }
0x47: {  	[tilespmem:s24], [sflag:$0x2] =	stream.indirect_vreg.gather [hbm4b:s9+s3], $0x80, v2, vm0, $0xb8;
	[tilespmem:$0x1C400] =	vst v63  }
0x48: {  	s24 =	simm.s32 $0x7400  }
0x49: {  	[tilespmem:s24], [sflag:$0x2] =	stream.indirect_vreg.gather [hbm4b:s10+s3], $0x80, v2, vm0, $0xb8;
	[tilespmem:$0x1C400] =	vst v63  }
0x4a: {  	s24 =	simm.s32 $0x7C00  }
0x4b: {  	[tilespmem:s24], [sflag:$0x2] =	stream.indirect_vreg.gather [hbm4b:s12+s3], $0x80, v2, vm0, $0xb8;
	[tilespmem:$0x1C400] =	vst v63  }
0x4c: {  	v2 =	vld.msk [tilespmem:$0x10], $0xff;
	_ =	sdelay $0x4  }
0x4d: {  	v3 =	vshll.u32 v2, $0x4  }
0x4e: {  	v2 =	vand.u32 $0x7, v2;
	v3 =	vand.u32 $0xFFFFFF80, v3  }
0x4f: {  	v2 =	vor.u32 v2, v3  }
0x50: {  	v2 =	vperm.xlane v2, v0;
	_ =	sdelay $0x1  }
0x51: {  	v2 =	vadd.s32 v1, v2;
	_ =	sdelay $0x4  }
0x52: {  	[tilespmem:s31], [sflag:$0x3] =	stream.indirect_vreg.gather [hbm4b:s2+s3], $0x80, v2, vm0, $0xb8;
	[tilespmem:$0x1C400] =	vst v63  }
0x53: {  	_ = 	snop  }
0x54: {  	[tilespmem:s14], [sflag:$0x3] =	stream.indirect_vreg.gather [hbm4b:s5+s3], $0x80, v2, vm0, $0xb8;
	[tilespmem:$0x1C400] =	vst v63  }
0x55: {  	_ = 	snop  }
0x56: {  	[tilespmem:s18], [sflag:$0x3] =	stream.indirect_vreg.gather [hbm4b:s6+s3], $0x80, v2, vm0, $0xb8;
	[tilespmem:$0x1C400] =	vst v63  }
0x57: {  	_ = 	snop  }
0x58: {  	[tilespmem:s23], [sflag:$0x3] =	stream.indirect_vreg.gather [hbm4b:s7+s3], $0x80, v2, vm0, $0xb8;
	[tilespmem:$0x1C400] =	vst v63  }
0x59: {  	_ = 	snop  }
0x5a: {  	[tilespmem:s26], [sflag:$0x3] =	stream.indirect_vreg.gather [hbm4b:s8+s3], $0x80, v2, vm0, $0xb8;
	[tilespmem:$0x1C400] =	vst v63  }
0x5b: {  	s31 =	simm.s32 $0xAC00  }
0x5c: {  	[tilespmem:s31], [sflag:$0x3] =	stream.indirect_vreg.gather [hbm4b:s9+s3], $0x80, v2, vm0, $0xb8;
	[tilespmem:$0x1C400] =	vst v63  }
0x5d: {  	s14 =	simm.s32 $0xB400  }
0x5e: {  	[tilespmem:s14], [sflag:$0x3] =	stream.indirect_vreg.gather [hbm4b:s10+s3], $0x80, v2, vm0, $0xb8;
	[tilespmem:$0x1C400] =	vst v63  }
0x5f: {  	s18 =	simm.s32 $0xBC00  }
0x60: {  	[tilespmem:s18], [sflag:$0x3] =	stream.indirect_vreg.gather [hbm4b:s12+s3], $0x80, v2, vm0, $0xb8;
	[tilespmem:$0x1C400] =	vst v63  }
0x61: {  	v2 =	vld.msk [tilespmem:$0x18], $0xff;
	_ =	sdelay $0x4  }
0x62: {  	v3 =	vshll.u32 v2, $0x4  }
0x63: {  	v2 =	vand.u32 $0x7, v2;
	v3 =	vand.u32 $0xFFFFFF80, v3  }
0x64: {  	v2 =	vor.u32 v2, v3  }
0x65: {  	v2 =	vperm.xlane v2, v0;
	_ =	sdelay $0x1  }
0x66: {  	v2 =	vadd.s32 v1, v2;
	_ =	sdelay $0x4  }
0x67: {  	[tilespmem:s11], [sflag:$0x4] =	stream.indirect_vreg.gather [hbm4b:s2+s3], $0x80, v2, vm0, $0xb8;
	[tilespmem:$0x1C400] =	vst v63  }
0x68: {  	_ = 	snop  }
0x69: {  	[tilespmem:s20], [sflag:$0x4] =	stream.indirect_vreg.gather [hbm4b:s5+s3], $0x80, v2, vm0, $0xb8;
	[tilespmem:$0x1C400] =	vst v63  }
0x6a: {  	s23 =	simm.s32 $0xD400  }
0x6b: {  	[tilespmem:s23], [sflag:$0x4] =	stream.indirect_vreg.gather [hbm4b:s6+s3], $0x80, v2, vm0, $0xb8;
	[tilespmem:$0x1C400] =	vst v63  }
0x6c: {  	s24 =	simm.s32 $0xDC00  }
0x6d: {  	[tilespmem:s24], [sflag:$0x4] =	stream.indirect_vreg.gather [hbm4b:s7+s3], $0x80, v2, vm0, $0xb8;
	[tilespmem:$0x1C400] =	vst v63  }
0x6e: {  	s26 =	simm.s32 $0xE400  }
0x6f: {  	[tilespmem:s26], [sflag:$0x4] =	stream.indirect_vreg.gather [hbm4b:s8+s3], $0x80, v2, vm0, $0xb8;
	[tilespmem:$0x1C400] =	vst v63  }
0x70: {  	s31 =	simm.s32 $0xEC00  }
0x71: {  	[tilespmem:s31], [sflag:$0x4] =	stream.indirect_vreg.gather [hbm4b:s9+s3], $0x80, v2, vm0, $0xb8;
	[tilespmem:$0x1C400] =	vst v63  }
0x72: {  	s11 =	simm.s32 $0xF400  }
0x73: {  	[tilespmem:s11], [sflag:$0x4] =	stream.indirect_vreg.gather [hbm4b:s10+s3], $0x80, v2, vm0, $0xb8;
	[tilespmem:$0x1C400] =	vst v63  }
0x74: {  	s14 =	simm.s32 $0xFC00  }
0x75: {  	[tilespmem:s14], [sflag:$0x4] =	stream.indirect_vreg.gather [hbm4b:s12+s3], $0x80, v2, vm0, $0xb8;
	[tilespmem:$0x1C400] =	vst v63  }
0x76: {  	v2 =	vld.msk [tilespmem:$0x20], $0xff;
	_ =	sdelay $0x4  }
0x77: {  	v3 =	vshll.u32 v2, $0x4  }
0x78: {  	v2 =	vand.u32 $0x7, v2;
	v3 =	vand.u32 $0xFFFFFF80, v3  }
0x79: {  	v2 =	vor.u32 v2, v3  }
0x7a: {  	v2 =	vperm.xlane v2, v0;
	_ =	sdelay $0x1  }
0x7b: {  	v2 =	vadd.s32 v1, v2;
	_ =	sdelay $0x4  }
0x7c: {  	[tilespmem:s30], [sflag:$0x5] =	stream.indirect_vreg.gather [hbm4b:s2+s3], $0x80, v2, vm0, $0xb8;
	[tilespmem:$0x1C400] =	vst v63  }
0x7d: {  	_ = 	snop  }
0x7e: {  	[tilespmem:s29], [sflag:$0x5] =	stream.indirect_vreg.gather [hbm4b:s5+s3], $0x80, v2, vm0, $0xb8;
	[tilespmem:$0x1C400] =	vst v63  }
0x7f: {  	s18 =	simm.s32 $0x11400  }
0x80: {  	[tilespmem:s18], [sflag:$0x5] =	stream.indirect_vreg.gather [hbm4b:s6+s3], $0x80, v2, vm0, $0xb8;
	[tilespmem:$0x1C400] =	vst v63  }
0x81: {  	s20 =	simm.s32 $0x11C00  }
0x82: {  	[tilespmem:s20], [sflag:$0x5] =	stream.indirect_vreg.gather [hbm4b:s7+s3], $0x80, v2, vm0, $0xb8;
	[tilespmem:$0x1C400] =	vst v63  }
0x83: {  	s23 =	simm.s32 $0x12400  }
0x84: {  	[tilespmem:s23], [sflag:$0x5] =	stream.indirect_vreg.gather [hbm4b:s8+s3], $0x80, v2, vm0, $0xb8;
	[tilespmem:$0x1C400] =	vst v63  }
0x85: {  	s24 =	simm.s32 $0x12C00  }
0x86: {  	[tilespmem:s24], [sflag:$0x5] =	stream.indirect_vreg.gather [hbm4b:s9+s3], $0x80, v2, vm0, $0xb8;
	[tilespmem:$0x1C400] =	vst v63  }
0x87: {  	s26 =	simm.s32 $0x13400  }
0x88: {  	[tilespmem:s26], [sflag:$0x5] =	stream.indirect_vreg.gather [hbm4b:s10+s3], $0x80, v2, vm0, $0xb8;
	[tilespmem:$0x1C400] =	vst v63  }
0x89: {  	s29 =	simm.s32 $0x13C00  }
0x8a: {  	[tilespmem:s29], [sflag:$0x5] =	stream.indirect_vreg.gather [hbm4b:s12+s3], $0x80, v2, vm0, $0xb8;
	[tilespmem:$0x1C400] =	vst v63  }
0x8b: {  	v2 =	vld.msk [tilespmem:$0x28], $0xff;
	_ =	sdelay $0x4  }
0x8c: {  	v3 =	vshll.u32 v2, $0x4  }
0x8d: {  	v2 =	vand.u32 $0x7, v2;
	v3 =	vand.u32 $0xFFFFFF80, v3  }
0x8e: {  	v2 =	vor.u32 v2, v3  }
0x8f: {  	v2 =	vperm.xlane v2, v0;
	_ =	sdelay $0x1  }
0x90: {  	v2 =	vadd.s32 v1, v2;
	_ =	sdelay $0x4  }
0x91: {  	[tilespmem:s17], [sflag:$0x6] =	stream.indirect_vreg.gather [hbm4b:s2+s3], $0x80, v2, vm0, $0xb8;
	[tilespmem:$0x1C400] =	vst v63  }
0x92: {  	_ = 	snop  }
0x93: {  	[tilespmem:s21], [sflag:$0x6] =	stream.indirect_vreg.gather [hbm4b:s5+s3], $0x80, v2, vm0, $0xb8;
	[tilespmem:$0x1C400] =	vst v63  }
0x94: {  	s30 =	simm.s32 $0x15400  }
0x95: {  	[tilespmem:s30], [sflag:$0x6] =	stream.indirect_vreg.gather [hbm4b:s6+s3], $0x80, v2, vm0, $0xb8;
	[tilespmem:$0x1C400] =	vst v63  }
0x96: {  	s31 =	simm.s32 $0x15C00  }
0x97: {  	[tilespmem:s31], [sflag:$0x6] =	stream.indirect_vreg.gather [hbm4b:s7+s3], $0x80, v2, vm0, $0xb8;
	[tilespmem:$0x1C400] =	vst v63  }
0x98: {  	s11 =	simm.s32 $0x16400  }
0x99: {  	[tilespmem:s11], [sflag:$0x6] =	stream.indirect_vreg.gather [hbm4b:s8+s3], $0x80, v2, vm0, $0xb8;
	[tilespmem:$0x1C400] =	vst v63  }
0x9a: {  	s14 =	simm.s32 $0x16C00  }
0x9b: {  	[tilespmem:s14], [sflag:$0x6] =	stream.indirect_vreg.gather [hbm4b:s9+s3], $0x80, v2, vm0, $0xb8;
	[tilespmem:$0x1C400] =	vst v63  }
0x9c: {  	s17 =	simm.s32 $0x17400  }
0x9d: {  	[tilespmem:s17], [sflag:$0x6] =	stream.indirect_vreg.gather [hbm4b:s10+s3], $0x80, v2, vm0, $0xb8;
	[tilespmem:$0x1C400] =	vst v63  }
0x9e: {  	s18 =	simm.s32 $0x17C00;
	s20 =	simm.s32 $0x1  }
0x9f: {  	[tilespmem:s18], [sflag:$0x6] =	stream.indirect_vreg.gather [hbm4b:s12+s3], $0x80, v2, vm0, $0xb8;
	[tilespmem:$0x1C400] =	vst v63  }
0xa0: {  	_ =	swait.ge [sflag:s20], $0x4000  }
0xa1: {  	[sflag:s20] =	ssyncset.done $0x0  }
0xa2: {  	s21 =	rddreg [dreg:$0x6];
	[sflag:s20] =	ssyncadd.s32 $0xFFFFC000  }
0xa3: {  	[hbm4b:s21+s3] =	stream.linear.scatter [tilespmem:s1], [sflag:$0x8], $0x4000, $0x38;
	[tilespmem:$0x1C400] =	vst v63  }
0xa4: {  	v2 =	vld.msk [tilespmem:$0x30], $0xff;
	_ =	sdelay $0x4  }
0xa5: {  	v3 =	vshll.u32 v2, $0x4  }
0xa6: {  	v2 =	vand.u32 $0x7, v2;
	v3 =	vand.u32 $0xFFFFFF80, v3  }
0xa7: {  	v2 =	vor.u32 v2, v3  }
0xa8: {  	v2 =	vperm.xlane v2, v0;
	_ =	sdelay $0x1  }
0xa9: {  	v2 =	vadd.s32 v1, v2;
	_ =	sdelay $0x4  }
0xaa: {  	[tilespmem:s19], [sflag:$0x7] =	stream.indirect_vreg.gather [hbm4b:s2+s3], $0x80, v2, vm0, $0xb8;
	[tilespmem:$0x1C400] =	vst v63  }
0xab: {  	_ = 	snop  }
0xac: {  	[tilespmem:s22], [sflag:$0x7] =	stream.indirect_vreg.gather [hbm4b:s5+s3], $0x80, v2, vm0, $0xb8;
	[tilespmem:$0x1C400] =	vst v63  }
0xad: {  	s23 =	simm.s32 $0x19400  }
0xae: {  	[tilespmem:s23], [sflag:$0x7] =	stream.indirect_vreg.gather [hbm4b:s6+s3], $0x80, v2, vm0, $0xb8;
	[tilespmem:$0x1C400] =	vst v63  }
0xaf: {  	s24 =	simm.s32 $0x19C00  }
0xb0: {  	[tilespmem:s24], [sflag:$0x7] =	stream.indirect_vreg.gather [hbm4b:s7+s3], $0x80, v2, vm0, $0xb8;
	[tilespmem:$0x1C400] =	vst v63  }
0xb1: {  	s26 =	simm.s32 $0x1A400  }
0xb2: {  	[tilespmem:s26], [sflag:$0x7] =	stream.indirect_vreg.gather [hbm4b:s8+s3], $0x80, v2, vm0, $0xb8;
	[tilespmem:$0x1C400] =	vst v63  }
0xb3: {  	s29 =	simm.s32 $0x1AC00  }
0xb4: {  	[tilespmem:s29], [sflag:$0x7] =	stream.indirect_vreg.gather [hbm4b:s9+s3], $0x80, v2, vm0, $0xb8;
	[tilespmem:$0x1C400] =	vst v63  }
0xb5: {  	s30 =	simm.s32 $0x1B400;
	s31 =	simm.s32 $0x1BC00;
	s1 =	simm.s32 $0x4  }
0xb6: {  	[tilespmem:s30], [sflag:$0x7] =	stream.indirect_vreg.gather [hbm4b:s10+s3], $0x80, v2, vm0, $0xb8;
	[tilespmem:$0x1C400] =	vst v63  }
0xb7: {  	s23 =	simm.s32 $0x0;
	s24 =	simm.s32 $0x3;
	s26 =	simm.s32 $0x68  }
0xb8: {  	[tilespmem:s31], [sflag:$0x7] =	stream.indirect_vreg.gather [hbm4b:s12+s3], $0x80, v2, vm0, $0xb8;
	[tilespmem:$0x1C400] =	vst v63  }
.LBB2_2:
0xb9: {  	_ =	swait.ge [sflag:s15], $0x4000  }
0xba: {  	s18 =	rddreg [dreg:$0x4]  }
0xbb: {  	s31 =	simm.s32 $0x4400;
	[sflag:s15] =	ssyncset.done $0x0;
	s18 =	sadd.s32 s23, s18  }
0xbc: {  	s14 =	simm.s32 $0x8;
	[sflag:s15] =	ssyncadd.s32 $0xFFFFC000;
	s0 =	sadd.s32 $0x800, s18  }
0xbd: {  	[hbm4b:s0+s3] =	stream.linear.scatter [tilespmem:s31], [sflag:$0x9], $0x4000, $0x38;
	[tilespmem:$0x1C400] =	vst v63  }
0xbe: {  	_ =	swait.ge [sflag:s14], $0x4000  }
0xbf: {  	[sflag:s14] =	ssyncset.done $0x0  }
0xc0: {  	[sflag:s14] =	ssyncadd.s32 $0xFFFFC000  }
0xc1: {  	v2 =	vld.msk [tilespmem:s26+$0xFFFFFFD0], $0xff;
	_ =	sdelay $0x4  }
0xc2: {  	v3 =	vshll.u32 v2, $0x4  }
0xc3: {  	v2 =	vand.u32 $0x7, v2;
	v3 =	vand.u32 $0xFFFFFF80, v3  }
0xc4: {  	v2 =	vor.u32 v2, v3  }
0xc5: {  	v2 =	vperm.xlane v2, v0;
	_ =	sdelay $0x1  }
0xc6: {  	v2 =	vadd.s32 v1, v2;
	_ =	sdelay $0x3  }
0xc7: {  	s19 =	simm.s32 $0x400  }
0xc8: {  	[tilespmem:s19], [sflag:$0x1] =	stream.indirect_vreg.gather [hbm4b:s2+s3], $0x80, v2, vm0, $0xb8;
	[tilespmem:$0x1C400] =	vst v63  }
0xc9: {  	s17 =	simm.s32 $0xC00  }
0xca: {  	[tilespmem:s17], [sflag:$0x1] =	stream.indirect_vreg.gather [hbm4b:s5+s3], $0x80, v2, vm0, $0xb8;
	[tilespmem:$0x1C400] =	vst v63  }
0xcb: {  	s20 =	simm.s32 $0x1400  }
0xcc: {  	[tilespmem:s20], [sflag:$0x1] =	stream.indirect_vreg.gather [hbm4b:s6+s3], $0x80, v2, vm0, $0xb8;
	[tilespmem:$0x1C400] =	vst v63  }
0xcd: {  	s21 =	simm.s32 $0x1C00  }
0xce: {  	[tilespmem:s21], [sflag:$0x1] =	stream.indirect_vreg.gather [hbm4b:s7+s3], $0x80, v2, vm0, $0xb8;
	[tilespmem:$0x1C400] =	vst v63  }
0xcf: {  	s22 =	simm.s32 $0x2400  }
0xd0: {  	[tilespmem:s22], [sflag:$0x1] =	stream.indirect_vreg.gather [hbm4b:s8+s3], $0x80, v2, vm0, $0xb8;
	[tilespmem:$0x1C400] =	vst v63  }
0xd1: {  	s11 =	simm.s32 $0x2C00  }
0xd2: {  	[tilespmem:s11], [sflag:$0x1] =	stream.indirect_vreg.gather [hbm4b:s9+s3], $0x80, v2, vm0, $0xb8;
	[tilespmem:$0x1C400] =	vst v63  }
0xd3: {  	s14 =	simm.s32 $0x3400  }
0xd4: {  	[tilespmem:s14], [sflag:$0x1] =	stream.indirect_vreg.gather [hbm4b:s10+s3], $0x80, v2, vm0, $0xb8;
	[tilespmem:$0x1C400] =	vst v63  }
0xd5: {  	s17 =	simm.s32 $0x3C00  }
0xd6: {  	[tilespmem:s17], [sflag:$0x1] =	stream.indirect_vreg.gather [hbm4b:s12+s3], $0x80, v2, vm0, $0xb8;
	[tilespmem:$0x1C400] =	vst v63  }
0xd7: {  	_ =	swait.ge [sflag:s24], $0x4000  }
0xd8: {  	s20 =	sadd.s32 $0x1000, s18;
	[sflag:s24] =	ssyncset.done $0x0  }
0xd9: {  	s21 =	simm.s32 $0x9;
	s14 =	simm.s32 $0x8400;
	[sflag:s24] =	ssyncadd.s32 $0xFFFFC000  }
0xda: {  	[hbm4b:s20+s3] =	stream.linear.scatter [tilespmem:s14], [sflag:$0xA], $0x4000, $0x38;
	[tilespmem:$0x1C400] =	vst v63  }
0xdb: {  	_ =	swait.ge [sflag:s21], $0x4000  }
0xdc: {  	[sflag:s21] =	ssyncset.done $0x0  }
0xdd: {  	[sflag:s21] =	ssyncadd.s32 $0xFFFFC000  }
0xde: {  	v2 =	vld.msk [tilespmem:s26+$0xFFFFFFD8], $0xff;
	_ =	sdelay $0x4  }
0xdf: {  	v3 =	vshll.u32 v2, $0x4  }
0xe0: {  	v2 =	vand.u32 $0x7, v2;
	v3 =	vand.u32 $0xFFFFFF80, v3  }
0xe1: {  	v2 =	vor.u32 v2, v3  }
0xe2: {  	v2 =	vperm.xlane v2, v0;
	_ =	sdelay $0x1  }
0xe3: {  	v2 =	vadd.s32 v1, v2;
	_ =	sdelay $0x4  }
0xe4: {  	[tilespmem:s31], [sflag:$0x2] =	stream.indirect_vreg.gather [hbm4b:s2+s3], $0x80, v2, vm0, $0xb8;
	[tilespmem:$0x1C400] =	vst v63  }
0xe5: {  	s22 =	simm.s32 $0x4C00  }
0xe6: {  	[tilespmem:s22], [sflag:$0x2] =	stream.indirect_vreg.gather [hbm4b:s5+s3], $0x80, v2, vm0, $0xb8;
	[tilespmem:$0x1C400] =	vst v63  }
0xe7: {  	s11 =	simm.s32 $0x5400  }
0xe8: {  	[tilespmem:s11], [sflag:$0x2] =	stream.indirect_vreg.gather [hbm4b:s6+s3], $0x80, v2, vm0, $0xb8;
	[tilespmem:$0x1C400] =	vst v63  }
0xe9: {  	s17 =	simm.s32 $0x5C00  }
0xea: {  	[tilespmem:s17], [sflag:$0x2] =	stream.indirect_vreg.gather [hbm4b:s7+s3], $0x80, v2, vm0, $0xb8;
	[tilespmem:$0x1C400] =	vst v63  }
0xeb: {  	s20 =	simm.s32 $0x6400  }
0xec: {  	[tilespmem:s20], [sflag:$0x2] =	stream.indirect_vreg.gather [hbm4b:s8+s3], $0x80, v2, vm0, $0xb8;
	[tilespmem:$0x1C400] =	vst v63  }
0xed: {  	s21 =	simm.s32 $0x6C00  }
0xee: {  	[tilespmem:s21], [sflag:$0x2] =	stream.indirect_vreg.gather [hbm4b:s9+s3], $0x80, v2, vm0, $0xb8;
	[tilespmem:$0x1C400] =	vst v63  }
0xef: {  	s22 =	simm.s32 $0x7400  }
0xf0: {  	[tilespmem:s22], [sflag:$0x2] =	stream.indirect_vreg.gather [hbm4b:s10+s3], $0x80, v2, vm0, $0xb8;
	[tilespmem:$0x1C400] =	vst v63  }
0xf1: {  	s11 =	simm.s32 $0x7C00  }
0xf2: {  	[tilespmem:s11], [sflag:$0x2] =	stream.indirect_vreg.gather [hbm4b:s12+s3], $0x80, v2, vm0, $0xb8;
	[tilespmem:$0x1C400] =	vst v63  }
0xf3: {  	_ =	swait.ge [sflag:s1], $0x4000  }
0xf4: {  	[sflag:s1] =	ssyncset.done $0x0  }
0xf5: {  	s17 =	sadd.s32 $0x1800, s18;
	s20 =	simm.s32 $0xC400;
	[sflag:s1] =	ssyncadd.s32 $0xFFFFC000  }
0xf6: {  	[hbm4b:s17+s3] =	stream.linear.scatter [tilespmem:s20], [sflag:$0xB], $0x4000, $0x38;
	[tilespmem:$0x1C400] =	vst v63  }
0xf7: {  	_ =	swait.ge [sflag:s25], $0x4000  }
0xf8: {  	[sflag:s25] =	ssyncset.done $0x0  }
0xf9: {  	[sflag:s25] =	ssyncadd.s32 $0xFFFFC000  }
0xfa: {  	v2 =	vld.msk [tilespmem:s26+$0xFFFFFFE0], $0xff;
	_ =	sdelay $0x4  }
0xfb: {  	v3 =	vshll.u32 v2, $0x4  }
0xfc: {  	v2 =	vand.u32 $0x7, v2;
	v3 =	vand.u32 $0xFFFFFF80, v3  }
0xfd: {  	v2 =	vor.u32 v2, v3  }
0xfe: {  	v2 =	vperm.xlane v2, v0;
	_ =	sdelay $0x1  }
0xff: {  	v2 =	vadd.s32 v1, v2;
	_ =	sdelay $0x4  }
0x100: {  	[tilespmem:s14], [sflag:$0x3] =	stream.indirect_vreg.gather [hbm4b:s2+s3], $0x80, v2, vm0, $0xb8;
	[tilespmem:$0x1C400] =	vst v63  }
0x101: {  	s14 =	simm.s32 $0x8C00  }
0x102: {  	[tilespmem:s14], [sflag:$0x3] =	stream.indirect_vreg.gather [hbm4b:s5+s3], $0x80, v2, vm0, $0xb8;
	[tilespmem:$0x1C400] =	vst v63  }
0x103: {  	s21 =	simm.s32 $0x9400  }
0x104: {  	[tilespmem:s21], [sflag:$0x3] =	stream.indirect_vreg.gather [hbm4b:s6+s3], $0x80, v2, vm0, $0xb8;
	[tilespmem:$0x1C400] =	vst v63  }
0x105: {  	s22 =	simm.s32 $0x9C00  }
0x106: {  	[tilespmem:s22], [sflag:$0x3] =	stream.indirect_vreg.gather [hbm4b:s7+s3], $0x80, v2, vm0, $0xb8;
	[tilespmem:$0x1C400] =	vst v63  }
0x107: {  	s11 =	simm.s32 $0xA400  }
0x108: {  	[tilespmem:s11], [sflag:$0x3] =	stream.indirect_vreg.gather [hbm4b:s8+s3], $0x80, v2, vm0, $0xb8;
	[tilespmem:$0x1C400] =	vst v63  }
0x109: {  	s17 =	simm.s32 $0xAC00  }
0x10a: {  	[tilespmem:s17], [sflag:$0x3] =	stream.indirect_vreg.gather [hbm4b:s9+s3], $0x80, v2, vm0, $0xb8;
	[tilespmem:$0x1C400] =	vst v63  }
0x10b: {  	s21 =	simm.s32 $0xB400  }
0x10c: {  	[tilespmem:s21], [sflag:$0x3] =	stream.indirect_vreg.gather [hbm4b:s10+s3], $0x80, v2, vm0, $0xb8;
	[tilespmem:$0x1C400] =	vst v63  }
0x10d: {  	s22 =	simm.s32 $0xBC00  }
0x10e: {  	[tilespmem:s22], [sflag:$0x3] =	stream.indirect_vreg.gather [hbm4b:s12+s3], $0x80, v2, vm0, $0xb8;
	[tilespmem:$0x1C400] =	vst v63  }
0x10f: {  	_ =	swait.ge [sflag:s28], $0x4000  }
0x110: {  	[sflag:s28] =	ssyncset.done $0x0  }
0x111: {  	s29 =	simm.s32 $0x10400;
	s11 =	sadd.s32 $0x2000, s18;
	[sflag:s28] =	ssyncadd.s32 $0xFFFFC000  }
0x112: {  	[hbm4b:s11+s3] =	stream.linear.scatter [tilespmem:s29], [sflag:$0xC], $0x4000, $0x38;
	[tilespmem:$0x1C400] =	vst v63  }
0x113: {  	_ =	swait.ge [sflag:s13], $0x4000  }
0x114: {  	[sflag:s13] =	ssyncset.done $0x0  }
0x115: {  	[sflag:s13] =	ssyncadd.s32 $0xFFFFC000  }
0x116: {  	v2 =	vld.msk [tilespmem:s26+$0xFFFFFFE8], $0xff;
	_ =	sdelay $0x4  }
0x117: {  	v3 =	vshll.u32 v2, $0x4  }
0x118: {  	v2 =	vand.u32 $0x7, v2;
	v3 =	vand.u32 $0xFFFFFF80, v3  }
0x119: {  	v2 =	vor.u32 v2, v3  }
0x11a: {  	v2 =	vperm.xlane v2, v0;
	_ =	sdelay $0x1  }
0x11b: {  	v2 =	vadd.s32 v1, v2;
	_ =	sdelay $0x4  }
0x11c: {  	[tilespmem:s20], [sflag:$0x4] =	stream.indirect_vreg.gather [hbm4b:s2+s3], $0x80, v2, vm0, $0xb8;
	[tilespmem:$0x1C400] =	vst v63  }
0x11d: {  	s20 =	simm.s32 $0xCC00  }
0x11e: {  	[tilespmem:s20], [sflag:$0x4] =	stream.indirect_vreg.gather [hbm4b:s5+s3], $0x80, v2, vm0, $0xb8;
	[tilespmem:$0x1C400] =	vst v63  }
0x11f: {  	s17 =	simm.s32 $0xD400  }
0x120: {  	[tilespmem:s17], [sflag:$0x4] =	stream.indirect_vreg.gather [hbm4b:s6+s3], $0x80, v2, vm0, $0xb8;
	[tilespmem:$0x1C400] =	vst v63  }
0x121: {  	s21 =	simm.s32 $0xDC00  }
0x122: {  	[tilespmem:s21], [sflag:$0x4] =	stream.indirect_vreg.gather [hbm4b:s7+s3], $0x80, v2, vm0, $0xb8;
	[tilespmem:$0x1C400] =	vst v63  }
0x123: {  	s22 =	simm.s32 $0xE400  }
0x124: {  	[tilespmem:s22], [sflag:$0x4] =	stream.indirect_vreg.gather [hbm4b:s8+s3], $0x80, v2, vm0, $0xb8;
	[tilespmem:$0x1C400] =	vst v63  }
0x125: {  	s17 =	simm.s32 $0xEC00  }
0x126: {  	[tilespmem:s17], [sflag:$0x4] =	stream.indirect_vreg.gather [hbm4b:s9+s3], $0x80, v2, vm0, $0xb8;
	[tilespmem:$0x1C400] =	vst v63  }
0x127: {  	s21 =	simm.s32 $0xF400  }
0x128: {  	[tilespmem:s21], [sflag:$0x4] =	stream.indirect_vreg.gather [hbm4b:s10+s3], $0x80, v2, vm0, $0xb8;
	[tilespmem:$0x1C400] =	vst v63  }
0x129: {  	s22 =	simm.s32 $0xFC00  }
0x12a: {  	[tilespmem:s22], [sflag:$0x4] =	stream.indirect_vreg.gather [hbm4b:s12+s3], $0x80, v2, vm0, $0xb8;
	[tilespmem:$0x1C400] =	vst v63  }
0x12b: {  	_ =	swait.ge [sflag:s4], $0x4000  }
0x12c: {  	s17 =	sadd.s32 $0x2800, s18;
	[sflag:s4] =	ssyncset.done $0x0  }
0x12d: {  	s21 =	simm.s32 $0x14400;
	s22 =	simm.s32 $0xC;
	[sflag:s4] =	ssyncadd.s32 $0xFFFFC000  }
0x12e: {  	[hbm4b:s17+s3] =	stream.linear.scatter [tilespmem:s21], [sflag:$0xD], $0x4000, $0x38;
	[tilespmem:$0x1C400] =	vst v63  }
0x12f: {  	_ =	swait.ge [sflag:s22], $0x4000  }
0x130: {  	[sflag:s22] =	ssyncset.done $0x0  }
0x131: {  	[sflag:s22] =	ssyncadd.s32 $0xFFFFC000  }
0x132: {  	v2 =	vld.msk [tilespmem:s26+$0xFFFFFFF0], $0xff;
	_ =	sdelay $0x4  }
0x133: {  	v3 =	vshll.u32 v2, $0x4  }
0x134: {  	v2 =	vand.u32 $0x7, v2;
	v3 =	vand.u32 $0xFFFFFF80, v3  }
0x135: {  	v2 =	vor.u32 v2, v3  }
0x136: {  	v2 =	vperm.xlane v2, v0;
	_ =	sdelay $0x1  }
0x137: {  	v2 =	vadd.s32 v1, v2;
	_ =	sdelay $0x4  }
0x138: {  	[tilespmem:s29], [sflag:$0x5] =	stream.indirect_vreg.gather [hbm4b:s2+s3], $0x80, v2, vm0, $0xb8;
	[tilespmem:$0x1C400] =	vst v63  }
0x139: {  	s29 =	simm.s32 $0x10C00  }
0x13a: {  	[tilespmem:s29], [sflag:$0x5] =	stream.indirect_vreg.gather [hbm4b:s5+s3], $0x80, v2, vm0, $0xb8;
	[tilespmem:$0x1C400] =	vst v63  }
0x13b: {  	s17 =	simm.s32 $0x11400  }
0x13c: {  	[tilespmem:s17], [sflag:$0x5] =	stream.indirect_vreg.gather [hbm4b:s6+s3], $0x80, v2, vm0, $0xb8;
	[tilespmem:$0x1C400] =	vst v63  }
0x13d: {  	s22 =	simm.s32 $0x11C00  }
0x13e: {  	[tilespmem:s22], [sflag:$0x5] =	stream.indirect_vreg.gather [hbm4b:s7+s3], $0x80, v2, vm0, $0xb8;
	[tilespmem:$0x1C400] =	vst v63  }
0x13f: {  	s17 =	simm.s32 $0x12400  }
0x140: {  	[tilespmem:s17], [sflag:$0x5] =	stream.indirect_vreg.gather [hbm4b:s8+s3], $0x80, v2, vm0, $0xb8;
	[tilespmem:$0x1C400] =	vst v63  }
0x141: {  	s22 =	simm.s32 $0x12C00  }
0x142: {  	[tilespmem:s22], [sflag:$0x5] =	stream.indirect_vreg.gather [hbm4b:s9+s3], $0x80, v2, vm0, $0xb8;
	[tilespmem:$0x1C400] =	vst v63  }
0x143: {  	s17 =	simm.s32 $0x13400  }
0x144: {  	[tilespmem:s17], [sflag:$0x5] =	stream.indirect_vreg.gather [hbm4b:s10+s3], $0x80, v2, vm0, $0xb8;
	[tilespmem:$0x1C400] =	vst v63  }
0x145: {  	s22 =	simm.s32 $0x13C00  }
0x146: {  	[tilespmem:s22], [sflag:$0x5] =	stream.indirect_vreg.gather [hbm4b:s12+s3], $0x80, v2, vm0, $0xb8;
	[tilespmem:$0x1C400] =	vst v63  }
0x147: {  	_ =	swait.ge [sflag:s16], $0x4000  }
0x148: {  	[sflag:s16] =	ssyncset.done $0x0  }
0x149: {  	s17 =	sadd.s32 $0x3000, s18;
	s22 =	simm.s32 $0x18400;
	[sflag:s16] =	ssyncadd.s32 $0xFFFFC000  }
0x14a: {  	[hbm4b:s17+s3] =	stream.linear.scatter [tilespmem:s22], [sflag:$0xE], $0x4000, $0x38;
	[tilespmem:$0x1C400] =	vst v63  }
0x14b: {  	s17 =	simm.s32 $0xD  }
0x14c: {  	_ =	swait.ge [sflag:s17], $0x4000  }
0x14d: {  	[sflag:s17] =	ssyncset.done $0x0  }
0x14e: {  	[sflag:s17] =	ssyncadd.s32 $0xFFFFC000  }
0x14f: {  	v2 =	vld.msk [tilespmem:s26+$0xFFFFFFF8], $0xff;
	_ =	sdelay $0x4  }
0x150: {  	v3 =	vshll.u32 v2, $0x4  }
0x151: {  	v2 =	vand.u32 $0x7, v2;
	v3 =	vand.u32 $0xFFFFFF80, v3  }
0x152: {  	v2 =	vor.u32 v2, v3  }
0x153: {  	v2 =	vperm.xlane v2, v0;
	_ =	sdelay $0x1  }
0x154: {  	v2 =	vadd.s32 v1, v2;
	_ =	sdelay $0x4  }
0x155: {  	[tilespmem:s21], [sflag:$0x6] =	stream.indirect_vreg.gather [hbm4b:s2+s3], $0x80, v2, vm0, $0xb8;
	[tilespmem:$0x1C400] =	vst v63  }
0x156: {  	s21 =	simm.s32 $0x14C00  }
0x157: {  	[tilespmem:s21], [sflag:$0x6] =	stream.indirect_vreg.gather [hbm4b:s5+s3], $0x80, v2, vm0, $0xb8;
	[tilespmem:$0x1C400] =	vst v63  }
0x158: {  	s0 =	simm.s32 $0x15400  }
0x159: {  	[tilespmem:s0], [sflag:$0x6] =	stream.indirect_vreg.gather [hbm4b:s6+s3], $0x80, v2, vm0, $0xb8;
	[tilespmem:$0x1C400] =	vst v63  }
0x15a: {  	s0 =	simm.s32 $0x15C00  }
0x15b: {  	[tilespmem:s0], [sflag:$0x6] =	stream.indirect_vreg.gather [hbm4b:s7+s3], $0x80, v2, vm0, $0xb8;
	[tilespmem:$0x1C400] =	vst v63  }
0x15c: {  	s0 =	simm.s32 $0x16400  }
0x15d: {  	[tilespmem:s0], [sflag:$0x6] =	stream.indirect_vreg.gather [hbm4b:s8+s3], $0x80, v2, vm0, $0xb8;
	[tilespmem:$0x1C400] =	vst v63  }
0x15e: {  	s0 =	simm.s32 $0x16C00  }
0x15f: {  	[tilespmem:s0], [sflag:$0x6] =	stream.indirect_vreg.gather [hbm4b:s9+s3], $0x80, v2, vm0, $0xb8;
	[tilespmem:$0x1C400] =	vst v63  }
0x160: {  	s0 =	simm.s32 $0x17400  }
0x161: {  	[tilespmem:s0], [sflag:$0x6] =	stream.indirect_vreg.gather [hbm4b:s10+s3], $0x80, v2, vm0, $0xb8;
	[tilespmem:$0x1C400] =	vst v63  }
0x162: {  	s0 =	simm.s32 $0x17C00  }
0x163: {  	[tilespmem:s0], [sflag:$0x6] =	stream.indirect_vreg.gather [hbm4b:s12+s3], $0x80, v2, vm0, $0xb8;
	[tilespmem:$0x1C400] =	vst v63  }
0x164: {  	s0 =	simm.s32 $0x1  }
0x165: {  	_ =	swait.ge [sflag:s0], $0x4000  }
0x166: {  	[sflag:s0] =	ssyncset.done $0x0  }
0x167: {  	s18 =	sadd.s32 $0x3800, s18;
	[sflag:s0] =	ssyncadd.s32 $0xFFFFC000  }
0x168: {  	[hbm4b:s18+s3] =	stream.linear.scatter [tilespmem:s19], [sflag:$0x8], $0x4000, $0x38;
	[tilespmem:$0x1C400] =	vst v63  }
0x169: {  	s19 =	simm.s32 $0xE  }
0x16a: {  	_ =	swait.ge [sflag:s19], $0x4000  }
0x16b: {  	[sflag:s19] =	ssyncset.done $0x0  }
0x16c: {  	[sflag:s19] =	ssyncadd.s32 $0xFFFFC000  }
0x16d: {  	v2 =	vld.msk [tilespmem:s26+$0x0], $0xff;
	_ =	sdelay $0x4  }
0x16e: {  	v3 =	vshll.u32 v2, $0x4  }
0x16f: {  	v2 =	vand.u32 $0x7, v2;
	v3 =	vand.u32 $0xFFFFFF80, v3  }
0x170: {  	v2 =	vor.u32 v2, v3  }
0x171: {  	v2 =	vperm.xlane v2, v0;
	_ =	sdelay $0x1  }
0x172: {  	v2 =	vadd.s32 v1, v2;
	_ =	sdelay $0x4  }
0x173: {  	[tilespmem:s22], [sflag:$0x7] =	stream.indirect_vreg.gather [hbm4b:s2+s3], $0x80, v2, vm0, $0xb8;
	[tilespmem:$0x1C400] =	vst v63  }
0x174: {  	s22 =	simm.s32 $0x18C00  }
0x175: {  	[tilespmem:s22], [sflag:$0x7] =	stream.indirect_vreg.gather [hbm4b:s5+s3], $0x80, v2, vm0, $0xb8;
	[tilespmem:$0x1C400] =	vst v63  }
0x176: {  	s18 =	simm.s32 $0x19400  }
0x177: {  	[tilespmem:s18], [sflag:$0x7] =	stream.indirect_vreg.gather [hbm4b:s6+s3], $0x80, v2, vm0, $0xb8;
	[tilespmem:$0x1C400] =	vst v63  }
0x178: {  	s18 =	simm.s32 $0x19C00  }
0x179: {  	[tilespmem:s18], [sflag:$0x7] =	stream.indirect_vreg.gather [hbm4b:s7+s3], $0x80, v2, vm0, $0xb8;
	[tilespmem:$0x1C400] =	vst v63  }
0x17a: {  	s18 =	simm.s32 $0x1A400  }
0x17b: {  	[tilespmem:s18], [sflag:$0x7] =	stream.indirect_vreg.gather [hbm4b:s8+s3], $0x80, v2, vm0, $0xb8;
	[tilespmem:$0x1C400] =	vst v63  }
0x17c: {  	s30 =	simm.s32 $0x10400;
	p0 =	sne.s32 s23, $0x38000;
	s18 =	simm.s32 $0x1AC00  }
0x17d: {  	[tilespmem:s18], [sflag:$0x7] =	stream.indirect_vreg.gather [hbm4b:s9+s3], $0x80, v2, vm0, $0xb8;
	[tilespmem:$0x1C400] =	vst v63  }
.Ltmp0:
0x17e: {  	s23 =	sadd.s32 $0x3800, s23;
	s31 =	simm.s32 $0x8400;
	(pc) =	sbr.rel @p0 .LBB2_2-.Ltmp0, $4  }
0x17f: {  	s11 =	simm.s32 $0xC400;
	s17 =	simm.s32 $0x14400;
	s18 =	simm.s32 $0x1B400  }
0x180: {  	[tilespmem:s18], [sflag:$0x7] =	stream.indirect_vreg.gather [hbm4b:s10+s3], $0x80, v2, vm0, $0xb8;
	[tilespmem:$0x1C400] =	vst v63  }
0x181: {  	s19 =	simm.s32 $0x18400;
	s26 =	sadd.s32 $0x38, s26;
	s18 =	simm.s32 $0x1BC00  }
0x182: {  	[tilespmem:s18], [sflag:$0x7] =	stream.indirect_vreg.gather [hbm4b:s12+s3], $0x80, v2, vm0, $0xb8;
	[tilespmem:$0x1C400] =	vst v63  }
0x183: {  	_ =	swait.ge [sflag:s15], $0x4000  }
0x184: {  	s23 =	simm.s32 $0x4400;
	[sflag:s15] =	ssyncset.done $0x0  }
0x185: {  	s26 =	simm.s32 $0x8;
	s0 =	rddreg [dreg:$0x7];
	[sflag:s15] =	ssyncadd.s32 $0xFFFFC000  }
0x186: {  	[hbm4b:s0+s3] =	stream.linear.scatter [tilespmem:s23], [sflag:$0x9], $0x4000, $0x38;
	[tilespmem:$0x1C400] =	vst v63  }
0x187: {  	_ =	swait.ge [sflag:s26], $0x4000  }
0x188: {  	[sflag:s26] =	ssyncset.done $0x0  }
0x189: {  	[sflag:s26] =	ssyncadd.s32 $0xFFFFC000  }
0x18a: {  	v2 =	vld.msk [tilespmem:$0x3F0], $0xff;
	_ =	sdelay $0x4  }
0x18b: {  	v3 =	vshll.u32 v2, $0x4  }
0x18c: {  	v2 =	vand.u32 $0x7, v2;
	v3 =	vand.u32 $0xFFFFFF80, v3  }
0x18d: {  	v2 =	vor.u32 v2, v3  }
0x18e: {  	v2 =	vperm.xlane v2, v0;
	_ =	sdelay $0x1  }
0x18f: {  	v2 =	vadd.s32 v1, v2;
	_ =	sdelay $0x3  }
0x190: {  	s18 =	simm.s32 $0x400  }
0x191: {  	[tilespmem:s18], [sflag:$0x1] =	stream.indirect_vreg.gather [hbm4b:s2+s3], $0x80, v2, vm0, $0xb8;
	[tilespmem:$0x1C400] =	vst v63  }
0x192: {  	s0 =	simm.s32 $0xC00  }
0x193: {  	[tilespmem:s0], [sflag:$0x1] =	stream.indirect_vreg.gather [hbm4b:s5+s3], $0x80, v2, vm0, $0xb8;
	[tilespmem:$0x1C400] =	vst v63  }
0x194: {  	s0 =	simm.s32 $0x1400  }
0x195: {  	[tilespmem:s0], [sflag:$0x1] =	stream.indirect_vreg.gather [hbm4b:s6+s3], $0x80, v2, vm0, $0xb8;
	[tilespmem:$0x1C400] =	vst v63  }
0x196: {  	s0 =	simm.s32 $0x1C00  }
0x197: {  	[tilespmem:s0], [sflag:$0x1] =	stream.indirect_vreg.gather [hbm4b:s7+s3], $0x80, v2, vm0, $0xb8;
	[tilespmem:$0x1C400] =	vst v63  }
0x198: {  	s0 =	simm.s32 $0x2400  }
0x199: {  	[tilespmem:s0], [sflag:$0x1] =	stream.indirect_vreg.gather [hbm4b:s8+s3], $0x80, v2, vm0, $0xb8;
	[tilespmem:$0x1C400] =	vst v63  }
0x19a: {  	s0 =	simm.s32 $0x2C00  }
0x19b: {  	[tilespmem:s0], [sflag:$0x1] =	stream.indirect_vreg.gather [hbm4b:s9+s3], $0x80, v2, vm0, $0xb8;
	[tilespmem:$0x1C400] =	vst v63  }
0x19c: {  	s0 =	simm.s32 $0x3400  }
0x19d: {  	[tilespmem:s0], [sflag:$0x1] =	stream.indirect_vreg.gather [hbm4b:s10+s3], $0x80, v2, vm0, $0xb8;
	[tilespmem:$0x1C400] =	vst v63  }
0x19e: {  	s0 =	simm.s32 $0x3C00  }
0x19f: {  	[tilespmem:s0], [sflag:$0x1] =	stream.indirect_vreg.gather [hbm4b:s12+s3], $0x80, v2, vm0, $0xb8;
	[tilespmem:$0x1C400] =	vst v63  }
0x1a0: {  	_ =	swait.ge [sflag:s24], $0x4000  }
0x1a1: {  	[sflag:s24] =	ssyncset.done $0x0  }
0x1a2: {  	[sflag:s24] =	ssyncadd.s32 $0xFFFFC000;
	s24 =	rddreg [dreg:$0x8]  }
0x1a3: {  	[hbm4b:s24+s3] =	stream.linear.scatter [tilespmem:s31], [sflag:$0xA], $0x4000, $0x38;
	[tilespmem:$0x1C400] =	vst v63  }
0x1a4: {  	s24 =	simm.s32 $0x9  }
0x1a5: {  	_ =	swait.ge [sflag:s24], $0x4000  }
0x1a6: {  	[sflag:s24] =	ssyncset.done $0x0  }
0x1a7: {  	[sflag:s24] =	ssyncadd.s32 $0xFFFFC000  }
0x1a8: {  	v2 =	vld.msk [tilespmem:$0x3F8], $0xff;
	_ =	sdelay $0x4  }
0x1a9: {  	v3 =	vshll.u32 v2, $0x4  }
0x1aa: {  	v2 =	vand.u32 $0x7, v2;
	v3 =	vand.u32 $0xFFFFFF80, v3  }
0x1ab: {  	v2 =	vor.u32 v2, v3  }
0x1ac: {  	v2 =	vperm.xlane v2, v0;
	_ =	sdelay $0x1  }
0x1ad: {  	v2 =	vadd.s32 v1, v2;
	_ =	sdelay $0x4  }
0x1ae: {  	[tilespmem:s23], [sflag:$0x2] =	stream.indirect_vreg.gather [hbm4b:s2+s3], $0x80, v2, vm0, $0xb8;
	[tilespmem:$0x1C400] =	vst v63  }
0x1af: {  	s0 =	simm.s32 $0x4C00  }
0x1b0: {  	[tilespmem:s0], [sflag:$0x2] =	stream.indirect_vreg.gather [hbm4b:s5+s3], $0x80, v2, vm0, $0xb8;
	[tilespmem:$0x1C400] =	vst v63  }
0x1b1: {  	s0 =	simm.s32 $0x5400  }
0x1b2: {  	[tilespmem:s0], [sflag:$0x2] =	stream.indirect_vreg.gather [hbm4b:s6+s3], $0x80, v2, vm0, $0xb8;
	[tilespmem:$0x1C400] =	vst v63  }
0x1b3: {  	s0 =	simm.s32 $0x5C00  }
0x1b4: {  	[tilespmem:s0], [sflag:$0x2] =	stream.indirect_vreg.gather [hbm4b:s7+s3], $0x80, v2, vm0, $0xb8;
	[tilespmem:$0x1C400] =	vst v63  }
0x1b5: {  	s0 =	simm.s32 $0x6400  }
0x1b6: {  	[tilespmem:s0], [sflag:$0x2] =	stream.indirect_vreg.gather [hbm4b:s8+s3], $0x80, v2, vm0, $0xb8;
	[tilespmem:$0x1C400] =	vst v63  }
0x1b7: {  	s0 =	simm.s32 $0x6C00  }
0x1b8: {  	[tilespmem:s0], [sflag:$0x2] =	stream.indirect_vreg.gather [hbm4b:s9+s3], $0x80, v2, vm0, $0xb8;
	[tilespmem:$0x1C400] =	vst v63  }
0x1b9: {  	s0 =	simm.s32 $0x7400  }
0x1ba: {  	[tilespmem:s0], [sflag:$0x2] =	stream.indirect_vreg.gather [hbm4b:s10+s3], $0x80, v2, vm0, $0xb8;
	[tilespmem:$0x1C400] =	vst v63  }
0x1bb: {  	s0 =	simm.s32 $0x7C00  }
0x1bc: {  	[tilespmem:s0], [sflag:$0x2] =	stream.indirect_vreg.gather [hbm4b:s12+s3], $0x80, v2, vm0, $0xb8;
	[tilespmem:$0x1C400] =	vst v63  }
0x1bd: {  	_ =	swait.ge [sflag:s1], $0x4000  }
0x1be: {  	[sflag:s1] =	ssyncset.done $0x0  }
0x1bf: {  	[sflag:s1] =	ssyncadd.s32 $0xFFFFC000;
	s1 =	rddreg [dreg:$0x9]  }
0x1c0: {  	[hbm4b:s1+s3] =	stream.linear.scatter [tilespmem:s11], [sflag:$0xB], $0x4000, $0x38;
	[tilespmem:$0x1C400] =	vst v63  }
0x1c1: {  	_ =	swait.ge [sflag:s28], $0x4000  }
0x1c2: {  	[sflag:s28] =	ssyncset.done $0x0  }
0x1c3: {  	s1 =	rddreg [dreg:$0xa];
	[sflag:s28] =	ssyncadd.s32 $0xFFFFC000  }
0x1c4: {  	[hbm4b:s1+s3] =	stream.linear.scatter [tilespmem:s30], [sflag:$0xC], $0x4000, $0x38;
	[tilespmem:$0x1C400] =	vst v63  }
0x1c5: {  	_ =	swait.ge [sflag:s4], $0x4000  }
0x1c6: {  	[sflag:s4] =	ssyncset.done $0x0  }
0x1c7: {  	s1 =	rddreg [dreg:$0xb];
	[sflag:s4] =	ssyncadd.s32 $0xFFFFC000  }
0x1c8: {  	[hbm4b:s1+s3] =	stream.linear.scatter [tilespmem:s17], [sflag:$0xD], $0x4000, $0x38;
	[tilespmem:$0x1C400] =	vst v63  }
0x1c9: {  	_ =	swait.ge [sflag:s16], $0x4000  }
0x1ca: {  	[sflag:s16] =	ssyncset.done $0x0  }
0x1cb: {  	s1 =	rddreg [dreg:$0xc];
	[sflag:s16] =	ssyncadd.s32 $0xFFFFC000  }
0x1cc: {  	[hbm4b:s1+s3] =	stream.linear.scatter [tilespmem:s19], [sflag:$0xE], $0x4000, $0x38;
	[tilespmem:$0x1C400] =	vst v63  }
0x1cd: {  	s1 =	simm.s32 $0x1  }
0x1ce: {  	_ =	swait.ge [sflag:s1], $0x4000  }
0x1cf: {  	[sflag:s1] =	ssyncset.done $0x0  }
0x1d0: {  	[sflag:s1] =	ssyncadd.s32 $0xFFFFC000;
	s1 =	rddreg [dreg:$0xd]  }
0x1d1: {  	[hbm4b:s1+s3] =	stream.linear.scatter [tilespmem:s18], [sflag:$0x8], $0x4000, $0x38;
	[tilespmem:$0x1C400] =	vst v63  }
0x1d2: {  	_ =	swait.ge [sflag:s15], $0x4000  }
0x1d3: {  	[sflag:s15] =	ssyncset.done $0x0  }
0x1d4: {  	s18 =	rddreg [dreg:$0xe];
	[sflag:s15] =	ssyncadd.s32 $0xFFFFC000  }
0x1d5: {  	[hbm4b:s18+s3] =	stream.linear.scatter [tilespmem:s23], [sflag:$0x9], $0x4000, $0x38;
	[tilespmem:$0x1C400] =	vst v63  }
0x1d6: {  	_ =	swait.ge [sflag:s25], $0x4000  }
0x1d7: {  	[sflag:s25] =	ssyncset.done $0x0  }
0x1d8: {  	[sflag:s25] =	ssyncadd.s32 $0xFFFFC000  }
0x1d9: {  	_ =	swait.ge [sflag:s13], $0x4000  }
0x1da: {  	[sflag:s13] =	ssyncset.done $0x0  }
0x1db: {  	s23 =	simm.s32 $0xC;
	[sflag:s13] =	ssyncadd.s32 $0xFFFFC000  }
0x1dc: {  	_ =	swait.ge [sflag:s23], $0x4000  }
0x1dd: {  	[sflag:s23] =	ssyncset.done $0x0  }
0x1de: {  	s1 =	simm.s32 $0xD;
	[sflag:s23] =	ssyncadd.s32 $0xFFFFC000  }
0x1df: {  	_ =	swait.ge [sflag:s1], $0x4000  }
0x1e0: {  	[sflag:s1] =	ssyncset.done $0x0  }
0x1e1: {  	s18 =	simm.s32 $0xE;
	[sflag:s1] =	ssyncadd.s32 $0xFFFFC000  }
0x1e2: {  	_ =	swait.ge [sflag:s18], $0x4000  }
0x1e3: {  	[sflag:s18] =	ssyncset.done $0x0  }
0x1e4: {  	[sflag:s18] =	ssyncadd.s32 $0xFFFFC000  }
0x1e5: {  	_ =	swait.ge [sflag:s26], $0x4000  }
0x1e6: {  	[sflag:s26] =	ssyncset.done $0x0  }
0x1e7: {  	[sflag:s26] =	ssyncadd.s32 $0xFFFFC000  }
0x1e8: {  	_ =	swait.ge [sflag:s24], $0x4000  }
0x1e9: {  	s23 =	rddreg [dreg:$0x10]  }
0x1ea: {  	s26 =	rddreg [dreg:$0xf];
	s1 =	sadd.s32 $0x1, s23  }
0x1eb: {  	p0 =	sne.s32 s1, s26  }
.Ltmp1:
0x1ec: {  	_ = 	snop;
	(pc) =	sbr.rel @p0 .LBB2_1-.Ltmp1, $3  }
0x1ed: {  	_ =	sdelay $0x1  }
0x1ee: {  	s18 =	simm.s32 $0x9400;
	[sflag:s24] =	ssyncset.done $0x0  }
0x1ef: {  	[sflag:s24] =	ssyncadd.s32 $0xFFFFC000;
	s23 =	simm.s32 $0x9C00;
	s26 =	simm.s32 $0xA400  }
0x1f0: {  	_ =	sfence.sel $0x180000  }
0x1f1: {  	[bflag:$0x0] =	sbarrier.arrive $0xFFFF  }
0x1f2: {  	_ =	strace $0x90000047  }
0x1f3: {  	s0 =	stileid.u32;
	[bflag:$0x2] =	sbarrier.arrive $0xFFFF  }
0x1f4: {  	p0 =	sne.s32 s0, $0x0;
	s0 =	rddreg [dreg:$0x3]  }
0x1f5: {  	s0 =	sadd.s32 @!p0 $0x100000, s0  }
0x1f6: {  	[sflag:s0] =	ssyncadd.tile.s32 @!p0 $0x1;
	_ =	shalt  }
.Lfunc_end2:
_tile_overlayer_lowered:
.L_overlay_start_2:
0x1f7: {  	(tag) =	ssettag $0x2  }
0x1f8: {  	s0 =	rddreg [dreg:$0x0];
	s2 =	stileid.u32  }
0x1f9: {  	s1 =	rddreg [dreg:$0x1];
	p0 =	sne.s32 s2, $0x0  }
0x1fa: {  	s3 =	rddreg [dreg:$0x2];
	[bflag:$0x3] =	sbarrier.arrive $0xFFFF;
	s2 =	simm.s32 @!p0 $0x1C0F  }
0x1fb: {  	[timem:s3], [sflag:s2] =	dma.local @!p0 [hbm:s0], s1  }
0x1fc: {  	s0 =	simm.s32 @!p0 $0xF  }
0x1fd: {  	_ =	swait.ge @!p0 [sflag:s0], s1  }
0x1fe: {  	s1 =	ssub.s32 @!p0 $0x0, s1;
	[sflag:s0] =	ssyncset.done @!p0 $0x0  }
0x1ff: {  	[sflag:s0] =	ssyncadd.s32 @!p0 s1  }
0x200: {  	[bflag:$0x3] =	sbarrier.arrive $0xFFFF  }
0x201: {  	_ =	shalt  }

</sc_bundles>
